<compile_context>
chip_gen: v7x
topology: tpu7x:2x2x1
jax: 0.10.2.dev20260603
libtpu: 0.0.44.dev20260713+nightly
codegen_flags: <defaults>
</compile_context>

<pallas_src>
import functools

import jax
import jax.numpy as jnp
from jax import lax
from jax.experimental import pallas as pl
from jax.experimental.pallas import tpu as pltpu
from jax.experimental.pallas import tpu_sc as plsc

N = 8 * 512 * 512
B = 4096
SCALE = 512.0
HIST = 2 * B
NC, NS, L = 2, 16, 16
NW = NC * NS
ROWS = 32
CHUNK = ROWS * 512
NCHUNK = N // (NW * CHUNK)
PAIRS_PER_IMG = 512 // ROWS


def _sc_hist_body(preds_hbm, labels_hbm, hist_out,
                  pbuf0, pbuf1, lbuf0, lbuf1, hist,
                  sp0, sp1, sl0, sl1):
    wid = lax.axis_index("s") * NC + lax.axis_index("c")

    zeros = jnp.zeros((L,), jnp.float32)
    ones = jnp.ones((L,), jnp.float32)

    @plsc.parallel_loop(0, HIST // L, unroll=8)
    def _zero(i):
        hist[i >> 3, pl.ds((i & 7) * L, L)] = zeros

    bufs = ((pbuf0, lbuf0, sp0, sl0), (pbuf1, lbuf1, sp1, sl1))

    def start_copies(c, slot):
        g = wid * NCHUNK + c
        img = g // PAIRS_PER_IMG
        row = (g % PAIRS_PER_IMG) * ROWS
        pb, lb, sp, sl = bufs[slot]
        cp = pltpu.async_copy(preds_hbm.at[img, pl.ds(row, ROWS), :], pb, sp)
        cl = pltpu.async_copy(labels_hbm.at[img, pl.ds(row, ROWS), :], lb, sl)
        return cp, cl

    acc = zeros
    inflight = [None, None]
    inflight[0] = start_copies(0, 0)
    for c in range(NCHUNK):
        slot = c % 2
        if c + 1 < NCHUNK:
            inflight[(c + 1) % 2] = start_copies(c + 1, (c + 1) % 2)
        cp, cl = inflight[slot]
        cp.wait()
        cl.wait()
        pb, lb = bufs[slot][0], bufs[slot][1]

        @plsc.parallel_loop(0, CHUNK // L, unroll=8, carry=acc)
        def _step(i, a):
            r = i >> 5
            off = (i & 31) * L
            p = pb[r, pl.ds(off, L)]
            li = lb[r, pl.ds(off, L)]
            lf = li.astype(jnp.float32)
            e = 1.0 - p * (2.0 * lf - 1.0)
            mask = e > 0.0
            bi = jnp.minimum((e * SCALE).astype(jnp.int32), B - 1)
            ci = jnp.where(li == 1, bi, bi + B)
            plsc.addupdate_scatter(hist, [ci >> 7, ci & 127], ones, mask=mask)
            return a + lf

        acc = _step

    hist[HIST // 128, pl.ds(0, L)] = acc
    pltpu.sync_copy(hist, hist_out.at[wid])


_sc_hist = functools.partial(
    pl.kernel,
    out_type=jax.ShapeDtypeStruct((NW, HIST // 128 + 1, 128), jnp.float32),
    mesh=plsc.VectorSubcoreMesh(core_axis_name="c", subcore_axis_name="s"),
    compiler_params=pltpu.CompilerParams(needs_layout_passes=False),
    scratch_types=(
        pltpu.VMEM((ROWS, 512), jnp.float32),
        pltpu.VMEM((ROWS, 512), jnp.float32),
        pltpu.VMEM((ROWS, 512), jnp.int32),
        pltpu.VMEM((ROWS, 512), jnp.int32),
        pltpu.VMEM((HIST // 128 + 1, 128), jnp.float32),
        pltpu.SemaphoreType.DMA,
        pltpu.SemaphoreType.DMA,
        pltpu.SemaphoreType.DMA,
        pltpu.SemaphoreType.DMA,
    ),
)(_sc_hist_body)


def _row_major_cumsum(x, u_incl, l_strict, ones_col):
    lane = lax.dot_general(x, u_incl, (((1,), (0,)), ((), ())),
                           precision=lax.Precision.HIGHEST,
                           preferred_element_type=jnp.float32)
    row_tot = lax.dot_general(x, ones_col, (((1,), (0,)), ((), ())),
                              precision=lax.Precision.HIGHEST,
                              preferred_element_type=jnp.float32)
    carry = lax.dot_general(l_strict, row_tot, (((1,), (0,)), ((), ())),
                            precision=lax.Precision.HIGHEST,
                            preferred_element_type=jnp.float32)
    return lane + carry


def _tc_scan_body(hist_ref, out_ref):
    rows = B // 128
    h = hist_ref[...]
    hs = jnp.sum(h, axis=0)
    cnt_pos = hs[:rows]
    cnt_neg = hs[rows:2 * rows]
    g_total = jnp.sum(h[:, 2 * rows, :L])

    i_idx = lax.broadcasted_iota(jnp.int32, (rows, 128), 0)
    j_idx = lax.broadcasted_iota(jnp.int32, (rows, 128), 1)
    iu = lax.broadcasted_iota(jnp.int32, (128, 128), 0)
    ju = lax.broadcasted_iota(jnp.int32, (128, 128), 1)
    u_incl = (iu <= ju).astype(jnp.float32)
    ir = lax.broadcasted_iota(jnp.int32, (rows, rows), 0)
    jr = lax.broadcasted_iota(jnp.int32, (rows, rows), 1)
    l_strict = (jr < ir).astype(jnp.float32)
    ones_col = jnp.ones((128, 1), jnp.float32)
    lin = (i_idx * 128 + j_idx).astype(jnp.float32)
    mid = (lin + 0.5) * (1.0 / SCALE)

    incl_n = _row_major_cumsum(cnt_neg, u_incl, l_strict, ones_col)
    incl_p = _row_major_cumsum(cnt_pos, u_incl, l_strict, ones_col)
    n_above = jnp.sum(cnt_neg) - incl_n
    p_above = jnp.sum(cnt_pos) - incl_p

    den0 = g_total + n_above
    den1 = den0 + cnt_neg
    inv0 = jnp.where(den0 > 0, 1.0 / jnp.maximum(den0, 1.0), 0.0)
    inv1 = jnp.where(den1 > 0, 1.0 / jnp.maximum(den1, 1.0), 0.0)
    contrib_pos = cnt_pos * mid * inv0
    mass = (g_total - (p_above + cnt_pos)) * (inv0 - inv1)
    contrib_neg = mid * mass
    total = jnp.sum(contrib_pos + contrib_neg)
    out_ref[...] = jnp.broadcast_to(total, (1, 1))


_tc_scan = pl.pallas_call(
    _tc_scan_body,
    out_shape=jax.ShapeDtypeStruct((1, 1), jnp.float32),
)


def kernel(preds, labels):
    hist_all = _sc_hist(preds, labels.astype(jnp.int32))
    out = _tc_scan(hist_all)
    return out[0, 0]

# --- scband reference (transcript-rebuilt; emitter-appended) ---
"""Pipeline reference for scband-binary-lovasz-loss-16544214024739 (READ-ONLY COPY).

The authoritative reference and input builder live on the scoring server;
editing this copy changes nothing except your own understanding.
"""

import jax, jax.numpy as jnp
import numpy as np


def setup_inputs(seed: int = 0) -> dict:
    key = jax.random.key(seed)
    k1, k2 = jax.random.split(key)
    preds = jax.random.normal(k1, (8, 512, 512), dtype=jnp.float32)
    labels = jax.random.randint(k2, (8, 512, 512), 0, 2, dtype=jnp.int64)
    return {"preds": preds, "labels": labels}


def reference(preds, labels):
    preds = preds.reshape(-1)
    labels = labels.reshape(-1)
    signs = 2.0 * labels.astype(jnp.float32) - 1.0
    errors = 1.0 - preds * signs
    # descending sort of errors (torch.sort(..., descending=True))
    perm = jnp.argsort(-errors)
    errors_sorted = errors[perm]
    gt_sorted = labels[perm]
    gts = gt_sorted.sum().astype(jnp.float32)
    intersection = gts - jnp.cumsum(gt_sorted.astype(jnp.float32))
    union = gts + jnp.cumsum((1 - gt_sorted).astype(jnp.float32))
    jaccard = 1.0 - intersection / union
    grad = jnp.concatenate([jaccard[:1], jaccard[1:] - jaccard[:-1]])
    return jnp.dot(jax.nn.relu(errors_sorted), grad)

if __name__ == "__main__":
    import jax
    _d = setup_inputs()
    print(jax.jit(kernel)(*tuple(_d.values())))

</pallas_src>

<mosaic_0001>
#map = affine_map<(d0, d1) -> (0, 0, 0)>
module attributes {stable_mosaic.version = 14 : i64} {
  func.func @_sc_hist_body(%arg0: i32, %arg1: i32, %arg2: memref<8x512x512xf32, #tpu.memory_space<hbm>>, %arg3: memref<8x512x512xi32, #tpu.memory_space<hbm>>, %arg4: memref<32x65x128xf32, #tpu.memory_space<hbm>>, %arg5: memref<32x512xf32, #tpu.memory_space<vmem>>, %arg6: memref<32x512xf32, #tpu.memory_space<vmem>>, %arg7: memref<32x512xi32, #tpu.memory_space<vmem>>, %arg8: memref<32x512xi32, #tpu.memory_space<vmem>>, %arg9: memref<65x128xf32, #tpu.memory_space<vmem>>, %arg10: memref<!tpu.dma_semaphore, #tpu.memory_space<semaphore_mem>>, %arg11: memref<!tpu.dma_semaphore, #tpu.memory_space<semaphore_mem>>, %arg12: memref<!tpu.dma_semaphore, #tpu.memory_space<semaphore_mem>>, %arg13: memref<!tpu.dma_semaphore, #tpu.memory_space<semaphore_mem>>) attributes {dimension_semantics = [#tpu.dimension_semantics<core_parallel>, #tpu.dimension_semantics<subcore_parallel>], iteration_bounds = array<i64: 2, 16>, scalar_prefetch = 0 : i64, scratch_operands = 9 : i64, tpu.core_type = #tpu.core_type<sc_vector_subcore>, window_params = [{transform_indices = #map}, {transform_indices = #map}, {transform_indices = #map}]} {
    %mul3A = arith.constant 2 : i32
    %mul3A_0 = arith.muli %arg1, %mul3A : i32
    %add3A = arith.addi %mul3A_0, %arg0 : i32
    %broadcast_in_dim3A = arith.constant 0.000000e+00 : f32
    %broadcast_in_dim3A_1 = vector.broadcast %broadcast_in_dim3A : f32 to vector<16xf32>
    %broadcast_in_dim3A_2 = arith.constant 1.000000e+00 : f32
    %broadcast_in_dim3A_3 = vector.broadcast %broadcast_in_dim3A_2 : f32 to vector<16xf32>
    %parallel_loop3A = arith.constant 0 : i32
    %parallel_loop3A_4 = arith.constant 512 : i32
    %parallel_loop3A_5 = arith.constant 1 : i32
    scf.for %parallel_loop3A_293 = %parallel_loop3A to %parallel_loop3A_4 step %parallel_loop3A_5  : i32 {
      %parallel_loop3A_294 = arith.constant 3 : i32
      %parallel_loop3A_295 = arith.shrsi %parallel_loop3A_293, %parallel_loop3A_294 : i32
      %parallel_loop3A_296 = arith.constant 7 : i32
      %parallel_loop3A_297 = arith.andi %parallel_loop3A_293, %parallel_loop3A_296 : i32
      %parallel_loop3A_298 = arith.constant 16 : i32
      %parallel_loop3A_299 = arith.muli %parallel_loop3A_297, %parallel_loop3A_298 : i32
      %parallel_loop3A_300 = arith.index_cast %parallel_loop3A_295 : i32 to index
      %parallel_loop3A_301 = arith.index_cast %parallel_loop3A_299 : i32 to index
      %parallel_loop3A_302 = tpu.vector_load %arg9[%parallel_loop3A_300, %parallel_loop3A_301] {strides = array<i32>} : memref<65x128xf32, #tpu.memory_space<vmem>>, vector<16xf32>,
      tpu.vector_store %arg9[%parallel_loop3A_300, %parallel_loop3A_301], %broadcast_in_dim3A_1 {strides = array<i32>} : memref<65x128xf32, #tpu.memory_space<vmem>>, vector<16xf32>,
    } {sc.loop_unroll_factor = 8 : i64, sc.parallel_access}
    %mul3A_6 = arith.constant 4 : i32
    %mul3A_7 = arith.muli %add3A, %mul3A_6 : i32
    %add3A_8 = arith.constant 0 : i32
    %add3A_9 = arith.addi %mul3A_7, %add3A_8 : i32
    %jit3A = arith.constant 16 : i32
    %div3A = arith.divsi %add3A_9, %jit3A : i32
    %sign3A = arith.constant 0 : i32
    %sign3A_10 = arith.cmpi sgt, %add3A_9, %sign3A : i32
    %sign3A_11 = arith.extui %sign3A_10 : i1 to i32
    %sign3A_12 = arith.constant 0 : i32
    %sign3A_13 = arith.cmpi slt, %add3A_9, %sign3A_12 : i32
    %sign3A_14 = arith.extui %sign3A_13 : i1 to i32
    %sign3A_15 = arith.subi %sign3A_11, %sign3A_14 : i32
    %sign3A_16 = arith.constant 0 : i32
    %sign3A_17 = arith.cmpi sgt, %jit3A, %sign3A_16 : i32
    %sign3A_18 = arith.extui %sign3A_17 : i1 to i32
    %sign3A_19 = arith.constant 0 : i32
    %sign3A_20 = arith.cmpi slt, %jit3A, %sign3A_19 : i32
    %sign3A_21 = arith.extui %sign3A_20 : i1 to i32
    %sign3A_22 = arith.subi %sign3A_18, %sign3A_21 : i32
    %ne3A = arith.cmpi ne, %sign3A_15, %sign3A_22 : i32
    %rem3A = arith.remsi %add3A_9, %jit3A : i32
    %ne3A_23 = arith.constant 0 : i32
    %ne3A_24 = arith.cmpi ne, %rem3A, %ne3A_23 : i32
    %and3A = arith.andi %ne3A, %ne3A_24 : i1
    %sub3A = arith.constant 1 : i32
    %sub3A_25 = arith.subi %div3A, %sub3A : i32
    %select_n3A = arith.select %and3A, %sub3A_25, %div3A : i32
    %jit3A_26 = arith.constant 16 : i32
    %eq3A = arith.constant 0 : i32
    %eq3A_27 = arith.cmpi eq, %jit3A_26, %eq3A : i32
    %jit3A_28 = arith.constant 1 : i32
    %select_n3A_29 = arith.select %eq3A_27, %jit3A_28, %jit3A_26 : i32
    %rem3A_30 = arith.remsi %add3A_9, %select_n3A_29 : i32
    %ne3A_31 = arith.constant 0 : i32
    %ne3A_32 = arith.cmpi ne, %rem3A_30, %ne3A_31 : i32
    %lt3A = arith.constant 0 : i32
    %lt3A_33 = arith.cmpi slt, %rem3A_30, %lt3A : i32
    %lt3A_34 = arith.constant 0 : i32
    %lt3A_35 = arith.cmpi slt, %select_n3A_29, %lt3A_34 : i32
    %ne3A_36 = arith.xori %lt3A_33, %lt3A_35 : i1
    %and3A_37 = arith.andi %ne3A_36, %ne3A_32 : i1
    %add3A_38 = arith.addi %rem3A_30, %select_n3A_29 : i32
    %select_n3A_39 = arith.select %and3A_37, %add3A_38, %rem3A_30 : i32
    %mul3A_40 = arith.constant 32 : i32
    %mul3A_41 = arith.muli %select_n3A_39, %mul3A_40 : i32
    %dma_start3A = arith.constant 0 : i32
    %dma_start3A_42 = tpu.memref_slice %arg2[%select_n3A, %mul3A_41, %dma_start3A] : memref<8x512x512xf32, #tpu.memory_space<hbm>> -> memref<1x32x512xf32, #tpu.memory_space<hbm>>
    %dma_start3A_43 = tpu.memref_squeeze %dma_start3A_42 : memref<1x32x512xf32, #tpu.memory_space<hbm>> -> memref<32x512xf32, #tpu.memory_space<hbm>>
    %dma_start3A_44 = arith.constant 0 : i32
    %dma_start3A_45 = tpu.memref_slice %arg2[%select_n3A, %mul3A_41, %dma_start3A_44] : memref<8x512x512xf32, #tpu.memory_space<hbm>> -> memref<1x32x512xf32, #tpu.memory_space<hbm>>
    %dma_start3A_46 = tpu.memref_squeeze %dma_start3A_45 : memref<1x32x512xf32, #tpu.memory_space<hbm>> -> memref<32x512xf32, #tpu.memory_space<hbm>>
    tpu.enqueue_dma source(%dma_start3A_46 : memref<32x512xf32, #tpu.memory_space<hbm>>) target(%arg5 : memref<32x512xf32, #tpu.memory_space<vmem>>) target_semaphore(%arg10 : memref<!tpu.dma_semaphore, #tpu.memory_space<semaphore_mem>>)
    %dma_start3A_47 = arith.constant 0 : i32
    %dma_start3A_48 = tpu.memref_slice %arg3[%select_n3A, %mul3A_41, %dma_start3A_47] : memref<8x512x512xi32, #tpu.memory_space<hbm>> -> memref<1x32x512xi32, #tpu.memory_space<hbm>>
    %dma_start3A_49 = tpu.memref_squeeze %dma_start3A_48 : memref<1x32x512xi32, #tpu.memory_space<hbm>> -> memref<32x512xi32, #tpu.memory_space<hbm>>
    %dma_start3A_50 = arith.constant 0 : i32
    %dma_start3A_51 = tpu.memref_slice %arg3[%select_n3A, %mul3A_41, %dma_start3A_50] : memref<8x512x512xi32, #tpu.memory_space<hbm>> -> memref<1x32x512xi32, #tpu.memory_space<hbm>>
    %dma_start3A_52 = tpu.memref_squeeze %dma_start3A_51 : memref<1x32x512xi32, #tpu.memory_space<hbm>> -> memref<32x512xi32, #tpu.memory_space<hbm>>
    tpu.enqueue_dma source(%dma_start3A_52 : memref<32x512xi32, #tpu.memory_space<hbm>>) target(%arg7 : memref<32x512xi32, #tpu.memory_space<vmem>>) target_semaphore(%arg12 : memref<!tpu.dma_semaphore, #tpu.memory_space<semaphore_mem>>)
    %mul3A_53 = arith.constant 4 : i32
    %mul3A_54 = arith.muli %add3A, %mul3A_53 : i32
    %add3A_55 = arith.constant 1 : i32
    %add3A_56 = arith.addi %mul3A_54, %add3A_55 : i32
    %jit3A_57 = arith.constant 16 : i32
    %div3A_58 = arith.divsi %add3A_56, %jit3A_57 : i32
    %sign3A_59 = arith.constant 0 : i32
    %sign3A_60 = arith.cmpi sgt, %add3A_56, %sign3A_59 : i32
    %sign3A_61 = arith.extui %sign3A_60 : i1 to i32
    %sign3A_62 = arith.constant 0 : i32
    %sign3A_63 = arith.cmpi slt, %add3A_56, %sign3A_62 : i32
    %sign3A_64 = arith.extui %sign3A_63 : i1 to i32
    %sign3A_65 = arith.subi %sign3A_61, %sign3A_64 : i32
    %sign3A_66 = arith.constant 0 : i32
    %sign3A_67 = arith.cmpi sgt, %jit3A_57, %sign3A_66 : i32
    %sign3A_68 = arith.extui %sign3A_67 : i1 to i32
    %sign3A_69 = arith.constant 0 : i32
    %sign3A_70 = arith.cmpi slt, %jit3A_57, %sign3A_69 : i32
    %sign3A_71 = arith.extui %sign3A_70 : i1 to i32
    %sign3A_72 = arith.subi %sign3A_68, %sign3A_71 : i32
    %ne3A_73 = arith.cmpi ne, %sign3A_65, %sign3A_72 : i32
    %rem3A_74 = arith.remsi %add3A_56, %jit3A_57 : i32
    %ne3A_75 = arith.constant 0 : i32
    %ne3A_76 = arith.cmpi ne, %rem3A_74, %ne3A_75 : i32
    %and3A_77 = arith.andi %ne3A_73, %ne3A_76 : i1
    %sub3A_78 = arith.constant 1 : i32
    %sub3A_79 = arith.subi %div3A_58, %sub3A_78 : i32
    %select_n3A_80 = arith.select %and3A_77, %sub3A_79, %div3A_58 : i32
    %jit3A_81 = arith.constant 16 : i32
    %eq3A_82 = arith.constant 0 : i32
    %eq3A_83 = arith.cmpi eq, %jit3A_81, %eq3A_82 : i32
    %jit3A_84 = arith.constant 1 : i32
    %select_n3A_85 = arith.select %eq3A_83, %jit3A_84, %jit3A_81 : i32
    %rem3A_86 = arith.remsi %add3A_56, %select_n3A_85 : i32
    %ne3A_87 = arith.constant 0 : i32
    %ne3A_88 = arith.cmpi ne, %rem3A_86, %ne3A_87 : i32
    %lt3A_89 = arith.constant 0 : i32
    %lt3A_90 = arith.cmpi slt, %rem3A_86, %lt3A_89 : i32
    %lt3A_91 = arith.constant 0 : i32
    %lt3A_92 = arith.cmpi slt, %select_n3A_85, %lt3A_91 : i32
    %ne3A_93 = arith.xori %lt3A_90, %lt3A_92 : i1
    %and3A_94 = arith.andi %ne3A_93, %ne3A_88 : i1
    %add3A_95 = arith.addi %rem3A_86, %select_n3A_85 : i32
    %select_n3A_96 = arith.select %and3A_94, %add3A_95, %rem3A_86 : i32
    %mul3A_97 = arith.constant 32 : i32
    %mul3A_98 = arith.muli %select_n3A_96, %mul3A_97 : i32
    %dma_start3A_99 = arith.constant 0 : i32
    %dma_start3A_100 = tpu.memref_slice %arg2[%select_n3A_80, %mul3A_98, %dma_start3A_99] : memref<8x512x512xf32, #tpu.memory_space<hbm>> -> memref<1x32x512xf32, #tpu.memory_space<hbm>>
    %dma_start3A_101 = tpu.memref_squeeze %dma_start3A_100 : memref<1x32x512xf32, #tpu.memory_space<hbm>> -> memref<32x512xf32, #tpu.memory_space<hbm>>
    %dma_start3A_102 = arith.constant 0 : i32
    %dma_start3A_103 = tpu.memref_slice %arg2[%select_n3A_80, %mul3A_98, %dma_start3A_102] : memref<8x512x512xf32, #tpu.memory_space<hbm>> -> memref<1x32x512xf32, #tpu.memory_space<hbm>>
    %dma_start3A_104 = tpu.memref_squeeze %dma_start3A_103 : memref<1x32x512xf32, #tpu.memory_space<hbm>> -> memref<32x512xf32, #tpu.memory_space<hbm>>
    tpu.enqueue_dma source(%dma_start3A_104 : memref<32x512xf32, #tpu.memory_space<hbm>>) target(%arg6 : memref<32x512xf32, #tpu.memory_space<vmem>>) target_semaphore(%arg11 : memref<!tpu.dma_semaphore, #tpu.memory_space<semaphore_mem>>)
    %dma_start3A_105 = arith.constant 0 : i32
    %dma_start3A_106 = tpu.memref_slice %arg3[%select_n3A_80, %mul3A_98, %dma_start3A_105] : memref<8x512x512xi32, #tpu.memory_space<hbm>> -> memref<1x32x512xi32, #tpu.memory_space<hbm>>
    %dma_start3A_107 = tpu.memref_squeeze %dma_start3A_106 : memref<1x32x512xi32, #tpu.memory_space<hbm>> -> memref<32x512xi32, #tpu.memory_space<hbm>>
    %dma_start3A_108 = arith.constant 0 : i32
    %dma_start3A_109 = tpu.memref_slice %arg3[%select_n3A_80, %mul3A_98, %dma_start3A_108] : memref<8x512x512xi32, #tpu.memory_space<hbm>> -> memref<1x32x512xi32, #tpu.memory_space<hbm>>
    %dma_start3A_110 = tpu.memref_squeeze %dma_start3A_109 : memref<1x32x512xi32, #tpu.memory_space<hbm>> -> memref<32x512xi32, #tpu.memory_space<hbm>>
    tpu.enqueue_dma source(%dma_start3A_110 : memref<32x512xi32, #tpu.memory_space<hbm>>) target(%arg8 : memref<32x512xi32, #tpu.memory_space<vmem>>) target_semaphore(%arg13 : memref<!tpu.dma_semaphore, #tpu.memory_space<semaphore_mem>>)
    %dma_wait3A = arith.constant 0 : i32
    %dma_wait3A_111 = tpu.memref_slice %arg2[%select_n3A, %mul3A_41, %dma_wait3A] : memref<8x512x512xf32, #tpu.memory_space<hbm>> -> memref<1x32x512xf32, #tpu.memory_space<hbm>>
    %dma_wait3A_112 = tpu.memref_squeeze %dma_wait3A_111 : memref<1x32x512xf32, #tpu.memory_space<hbm>> -> memref<32x512xf32, #tpu.memory_space<hbm>>
    %dma_wait3A_113 = arith.constant 0 : i32
    %dma_wait3A_114 = tpu.memref_slice %arg2[%select_n3A, %mul3A_41, %dma_wait3A_113] : memref<8x512x512xf32, #tpu.memory_space<hbm>> -> memref<1x32x512xf32, #tpu.memory_space<hbm>>
    %dma_wait3A_115 = tpu.memref_squeeze %dma_wait3A_114 : memref<1x32x512xf32, #tpu.memory_space<hbm>> -> memref<32x512xf32, #tpu.memory_space<hbm>>
    tpu.wait_dma2 semaphore(%arg10 : memref<!tpu.dma_semaphore, #tpu.memory_space<semaphore_mem>>) src(%dma_wait3A_115 : memref<32x512xf32, #tpu.memory_space<hbm>>) dst(%arg5 : memref<32x512xf32, #tpu.memory_space<vmem>>)
    %dma_wait3A_116 = arith.constant 0 : i32
    %dma_wait3A_117 = tpu.memref_slice %arg3[%select_n3A, %mul3A_41, %dma_wait3A_116] : memref<8x512x512xi32, #tpu.memory_space<hbm>> -> memref<1x32x512xi32, #tpu.memory_space<hbm>>
    %dma_wait3A_118 = tpu.memref_squeeze %dma_wait3A_117 : memref<1x32x512xi32, #tpu.memory_space<hbm>> -> memref<32x512xi32, #tpu.memory_space<hbm>>
    %dma_wait3A_119 = arith.constant 0 : i32
    %dma_wait3A_120 = tpu.memref_slice %arg3[%select_n3A, %mul3A_41, %dma_wait3A_119] : memref<8x512x512xi32, #tpu.memory_space<hbm>> -> memref<1x32x512xi32, #tpu.memory_space<hbm>>
    %dma_wait3A_121 = tpu.memref_squeeze %dma_wait3A_120 : memref<1x32x512xi32, #tpu.memory_space<hbm>> -> memref<32x512xi32, #tpu.memory_space<hbm>>
    tpu.wait_dma2 semaphore(%arg12 : memref<!tpu.dma_semaphore, #tpu.memory_space<semaphore_mem>>) src(%dma_wait3A_121 : memref<32x512xi32, #tpu.memory_space<hbm>>) dst(%arg7 : memref<32x512xi32, #tpu.memory_space<vmem>>)
    %parallel_loop3A_122 = arith.constant 0 : i32
    %parallel_loop3A_123 = arith.constant 1024 : i32
    %parallel_loop3A_124 = arith.constant 1 : i32
    %parallel_loop3A_125 = scf.for %parallel_loop3A_293 = %parallel_loop3A_122 to %parallel_loop3A_123 step %parallel_loop3A_124 iter_args(%parallel_loop3A_294 = %broadcast_in_dim3A_1) -> (vector<16xf32>)  : i32 {
      %parallel_loop3A_295 = arith.constant 5 : i32
      %parallel_loop3A_296 = arith.shrsi %parallel_loop3A_293, %parallel_loop3A_295 : i32
      %parallel_loop3A_297 = arith.constant 31 : i32
      %parallel_loop3A_298 = arith.andi %parallel_loop3A_293, %parallel_loop3A_297 : i32
      %parallel_loop3A_299 = arith.constant 16 : i32
      %parallel_loop3A_300 = arith.muli %parallel_loop3A_298, %parallel_loop3A_299 : i32
      %parallel_loop3A_301 = arith.index_cast %parallel_loop3A_296 : i32 to index
      %parallel_loop3A_302 = arith.index_cast %parallel_loop3A_300 : i32 to index
      %parallel_loop3A_303 = tpu.vector_load %arg5[%parallel_loop3A_301, %parallel_loop3A_302] {strides = array<i32>} : memref<32x512xf32, #tpu.memory_space<vmem>>, vector<16xf32>,
      %parallel_loop3A_304 = arith.index_cast %parallel_loop3A_296 : i32 to index
      %parallel_loop3A_305 = arith.index_cast %parallel_loop3A_300 : i32 to index
      %parallel_loop3A_306 = tpu.vector_load %arg7[%parallel_loop3A_304, %parallel_loop3A_305] {strides = array<i32>} : memref<32x512xi32, #tpu.memory_space<vmem>>, vector<16xi32>,
      %parallel_loop3A_307 = arith.sitofp %parallel_loop3A_306 : vector<16xi32> to vector<16xf32>
      %parallel_loop3A_308 = arith.constant 2.000000e+00 : f32
      %parallel_loop3A_309 = vector.broadcast %parallel_loop3A_308 : f32 to vector<16xf32>
      %parallel_loop3A_310 = arith.mulf %parallel_loop3A_309, %parallel_loop3A_307 : vector<16xf32>
      %parallel_loop3A_311 = arith.constant 1.000000e+00 : f32
      %parallel_loop3A_312 = vector.broadcast %parallel_loop3A_311 : f32 to vector<16xf32>
      %parallel_loop3A_313 = arith.subf %parallel_loop3A_310, %parallel_loop3A_312 : vector<16xf32>
      %parallel_loop3A_314 = arith.mulf %parallel_loop3A_303, %parallel_loop3A_313 : vector<16xf32>
      %parallel_loop3A_315 = arith.constant 1.000000e+00 : f32
      %parallel_loop3A_316 = vector.broadcast %parallel_loop3A_315 : f32 to vector<16xf32>
      %parallel_loop3A_317 = arith.subf %parallel_loop3A_316, %parallel_loop3A_314 : vector<16xf32>
      %parallel_loop3A_318 = arith.constant 0.000000e+00 : f32
      %parallel_loop3A_319 = vector.broadcast %parallel_loop3A_318 : f32 to vector<16xf32>
      %parallel_loop3A_320 = arith.cmpf ogt, %parallel_loop3A_317, %parallel_loop3A_319 : vector<16xf32>
      %parallel_loop3A_321 = arith.constant 5.120000e+02 : f32
      %parallel_loop3A_322 = vector.broadcast %parallel_loop3A_321 : f32 to vector<16xf32>
      %parallel_loop3A_323 = arith.mulf %parallel_loop3A_317, %parallel_loop3A_322 : vector<16xf32>
      %parallel_loop3A_324 = arith.fptosi %parallel_loop3A_323 : vector<16xf32> to vector<16xi32>
      %parallel_loop3A_325 = arith.constant 4095 : i32
      %parallel_loop3A_326 = vector.broadcast %parallel_loop3A_325 : i32 to vector<16xi32>
      %parallel_loop3A_327 = arith.minsi %parallel_loop3A_324, %parallel_loop3A_326 : vector<16xi32>
      %parallel_loop3A_328 = arith.constant 1 : i32
      %parallel_loop3A_329 = vector.broadcast %parallel_loop3A_328 : i32 to vector<16xi32>
      %parallel_loop3A_330 = arith.cmpi eq, %parallel_loop3A_306, %parallel_loop3A_329 : vector<16xi32>
      %parallel_loop3A_331 = arith.constant 4096 : i32
      %parallel_loop3A_332 = vector.broadcast %parallel_loop3A_331 : i32 to vector<16xi32>
      %parallel_loop3A_333 = arith.addi %parallel_loop3A_327, %parallel_loop3A_332 : vector<16xi32>
      %parallel_loop3A_334 = arith.select %parallel_loop3A_330, %parallel_loop3A_327, %parallel_loop3A_333 : vector<16xi1>, vector<16xi32>
      %parallel_loop3A_335 = arith.constant 7 : i32
      %parallel_loop3A_336 = vector.broadcast %parallel_loop3A_335 : i32 to vector<16xi32>
      %parallel_loop3A_337 = arith.shrsi %parallel_loop3A_334, %parallel_loop3A_336 : vector<16xi32>
      %parallel_loop3A_338 = arith.constant 127 : i32
      %parallel_loop3A_339 = vector.broadcast %parallel_loop3A_338 : i32 to vector<16xi32>
      %parallel_loop3A_340 = arith.andi %parallel_loop3A_334, %parallel_loop3A_339 : vector<16xi32>
      tpu.vector_store_idx %arg9[%parallel_loop3A_337, %parallel_loop3A_340], %broadcast_in_dim3A_3 masked %parallel_loop3A_320 {add = true} : memref<65x128xf32, #tpu.memory_space<vmem>>[vector<16xi32>, vector<16xi32>], vector<16xf32>, vector<16xi1>
      %parallel_loop3A_341 = arith.addf %parallel_loop3A_294, %parallel_loop3A_307 : vector<16xf32>
      scf.yield %parallel_loop3A_341 : vector<16xf32>
    } {sc.loop_unroll_factor = 8 : i64, sc.parallel_access}
    %mul3A_126 = arith.constant 4 : i32
    %mul3A_127 = arith.muli %add3A, %mul3A_126 : i32
    %add3A_128 = arith.constant 2 : i32
    %add3A_129 = arith.addi %mul3A_127, %add3A_128 : i32
    %jit3A_130 = arith.constant 16 : i32
    %div3A_131 = arith.divsi %add3A_129, %jit3A_130 : i32
    %sign3A_132 = arith.constant 0 : i32
    %sign3A_133 = arith.cmpi sgt, %add3A_129, %sign3A_132 : i32
    %sign3A_134 = arith.extui %sign3A_133 : i1 to i32
    %sign3A_135 = arith.constant 0 : i32
    %sign3A_136 = arith.cmpi slt, %add3A_129, %sign3A_135 : i32
    %sign3A_137 = arith.extui %sign3A_136 : i1 to i32
    %sign3A_138 = arith.subi %sign3A_134, %sign3A_137 : i32
    %sign3A_139 = arith.constant 0 : i32
    %sign3A_140 = arith.cmpi sgt, %jit3A_130, %sign3A_139 : i32
    %sign3A_141 = arith.extui %sign3A_140 : i1 to i32
    %sign3A_142 = arith.constant 0 : i32
    %sign3A_143 = arith.cmpi slt, %jit3A_130, %sign3A_142 : i32
    %sign3A_144 = arith.extui %sign3A_143 : i1 to i32
    %sign3A_145 = arith.subi %sign3A_141, %sign3A_144 : i32
    %ne3A_146 = arith.cmpi ne, %sign3A_138, %sign3A_145 : i32
    %rem3A_147 = arith.remsi %add3A_129, %jit3A_130 : i32
    %ne3A_148 = arith.constant 0 : i32
    %ne3A_149 = arith.cmpi ne, %rem3A_147, %ne3A_148 : i32
    %and3A_150 = arith.andi %ne3A_146, %ne3A_149 : i1
    %sub3A_151 = arith.constant 1 : i32
    %sub3A_152 = arith.subi %div3A_131, %sub3A_151 : i32
    %select_n3A_153 = arith.select %and3A_150, %sub3A_152, %div3A_131 : i32
    %jit3A_154 = arith.constant 16 : i32
    %eq3A_155 = arith.constant 0 : i32
    %eq3A_156 = arith.cmpi eq, %jit3A_154, %eq3A_155 : i32
    %jit3A_157 = arith.constant 1 : i32
    %select_n3A_158 = arith.select %eq3A_156, %jit3A_157, %jit3A_154 : i32
    %rem3A_159 = arith.remsi %add3A_129, %select_n3A_158 : i32
    %ne3A_160 = arith.constant 0 : i32
    %ne3A_161 = arith.cmpi ne, %rem3A_159, %ne3A_160 : i32
    %lt3A_162 = arith.constant 0 : i32
    %lt3A_163 = arith.cmpi slt, %rem3A_159, %lt3A_162 : i32
    %lt3A_164 = arith.constant 0 : i32
    %lt3A_165 = arith.cmpi slt, %select_n3A_158, %lt3A_164 : i32
    %ne3A_166 = arith.xori %lt3A_163, %lt3A_165 : i1
    %and3A_167 = arith.andi %ne3A_166, %ne3A_161 : i1
    %add3A_168 = arith.addi %rem3A_159, %select_n3A_158 : i32
    %select_n3A_169 = arith.select %and3A_167, %add3A_168, %rem3A_159 : i32
    %mul3A_170 = arith.constant 32 : i32
    %mul3A_171 = arith.muli %select_n3A_169, %mul3A_170 : i32
    %dma_start3A_172 = arith.constant 0 : i32
    %dma_start3A_173 = tpu.memref_slice %arg2[%select_n3A_153, %mul3A_171, %dma_start3A_172] : memref<8x512x512xf32, #tpu.memory_space<hbm>> -> memref<1x32x512xf32, #tpu.memory_space<hbm>>
    %dma_start3A_174 = tpu.memref_squeeze %dma_start3A_173 : memref<1x32x512xf32, #tpu.memory_space<hbm>> -> memref<32x512xf32, #tpu.memory_space<hbm>>
    %dma_start3A_175 = arith.constant 0 : i32
    %dma_start3A_176 = tpu.memref_slice %arg2[%select_n3A_153, %mul3A_171, %dma_start3A_175] : memref<8x512x512xf32, #tpu.memory_space<hbm>> -> memref<1x32x512xf32, #tpu.memory_space<hbm>>
    %dma_start3A_177 = tpu.memref_squeeze %dma_start3A_176 : memref<1x32x512xf32, #tpu.memory_space<hbm>> -> memref<32x512xf32, #tpu.memory_space<hbm>>
    tpu.enqueue_dma source(%dma_start3A_177 : memref<32x512xf32, #tpu.memory_space<hbm>>) target(%arg5 : memref<32x512xf32, #tpu.memory_space<vmem>>) target_semaphore(%arg10 : memref<!tpu.dma_semaphore, #tpu.memory_space<semaphore_mem>>)
    %dma_start3A_178 = arith.constant 0 : i32
    %dma_start3A_179 = tpu.memref_slice %arg3[%select_n3A_153, %mul3A_171, %dma_start3A_178] : memref<8x512x512xi32, #tpu.memory_space<hbm>> -> memref<1x32x512xi32, #tpu.memory_space<hbm>>
    %dma_start3A_180 = tpu.memref_squeeze %dma_start3A_179 : memref<1x32x512xi32, #tpu.memory_space<hbm>> -> memref<32x512xi32, #tpu.memory_space<hbm>>
    %dma_start3A_181 = arith.constant 0 : i32
    %dma_start3A_182 = tpu.memref_slice %arg3[%select_n3A_153, %mul3A_171, %dma_start3A_181] : memref<8x512x512xi32, #tpu.memory_space<hbm>> -> memref<1x32x512xi32, #tpu.memory_space<hbm>>
    %dma_start3A_183 = tpu.memref_squeeze %dma_start3A_182 : memref<1x32x512xi32, #tpu.memory_space<hbm>> -> memref<32x512xi32, #tpu.memory_space<hbm>>
    tpu.enqueue_dma source(%dma_start3A_183 : memref<32x512xi32, #tpu.memory_space<hbm>>) target(%arg7 : memref<32x512xi32, #tpu.memory_space<vmem>>) target_semaphore(%arg12 : memref<!tpu.dma_semaphore, #tpu.memory_space<semaphore_mem>>)
    %dma_wait3A_184 = arith.constant 0 : i32
    %dma_wait3A_185 = tpu.memref_slice %arg2[%select_n3A_80, %mul3A_98, %dma_wait3A_184] : memref<8x512x512xf32, #tpu.memory_space<hbm>> -> memref<1x32x512xf32, #tpu.memory_space<hbm>>
    %dma_wait3A_186 = tpu.memref_squeeze %dma_wait3A_185 : memref<1x32x512xf32, #tpu.memory_space<hbm>> -> memref<32x512xf32, #tpu.memory_space<hbm>>
    %dma_wait3A_187 = arith.constant 0 : i32
    %dma_wait3A_188 = tpu.memref_slice %arg2[%select_n3A_80, %mul3A_98, %dma_wait3A_187] : memref<8x512x512xf32, #tpu.memory_space<hbm>> -> memref<1x32x512xf32, #tpu.memory_space<hbm>>
    %dma_wait3A_189 = tpu.memref_squeeze %dma_wait3A_188 : memref<1x32x512xf32, #tpu.memory_space<hbm>> -> memref<32x512xf32, #tpu.memory_space<hbm>>
    tpu.wait_dma2 semaphore(%arg11 : memref<!tpu.dma_semaphore, #tpu.memory_space<semaphore_mem>>) src(%dma_wait3A_189 : memref<32x512xf32, #tpu.memory_space<hbm>>) dst(%arg6 : memref<32x512xf32, #tpu.memory_space<vmem>>)
    %dma_wait3A_190 = arith.constant 0 : i32
    %dma_wait3A_191 = tpu.memref_slice %arg3[%select_n3A_80, %mul3A_98, %dma_wait3A_190] : memref<8x512x512xi32, #tpu.memory_space<hbm>> -> memref<1x32x512xi32, #tpu.memory_space<hbm>>
    %dma_wait3A_192 = tpu.memref_squeeze %dma_wait3A_191 : memref<1x32x512xi32, #tpu.memory_space<hbm>> -> memref<32x512xi32, #tpu.memory_space<hbm>>
    %dma_wait3A_193 = arith.constant 0 : i32
    %dma_wait3A_194 = tpu.memref_slice %arg3[%select_n3A_80, %mul3A_98, %dma_wait3A_193] : memref<8x512x512xi32, #tpu.memory_space<hbm>> -> memref<1x32x512xi32, #tpu.memory_space<hbm>>
    %dma_wait3A_195 = tpu.memref_squeeze %dma_wait3A_194 : memref<1x32x512xi32, #tpu.memory_space<hbm>> -> memref<32x512xi32, #tpu.memory_space<hbm>>
    tpu.wait_dma2 semaphore(%arg13 : memref<!tpu.dma_semaphore, #tpu.memory_space<semaphore_mem>>) src(%dma_wait3A_195 : memref<32x512xi32, #tpu.memory_space<hbm>>) dst(%arg8 : memref<32x512xi32, #tpu.memory_space<vmem>>)
    %parallel_loop3A_196 = arith.constant 0 : i32
    %parallel_loop3A_197 = arith.constant 1024 : i32
    %parallel_loop3A_198 = arith.constant 1 : i32
    %parallel_loop3A_199 = scf.for %parallel_loop3A_293 = %parallel_loop3A_196 to %parallel_loop3A_197 step %parallel_loop3A_198 iter_args(%parallel_loop3A_294 = %parallel_loop3A_125) -> (vector<16xf32>)  : i32 {
      %parallel_loop3A_295 = arith.constant 5 : i32
      %parallel_loop3A_296 = arith.shrsi %parallel_loop3A_293, %parallel_loop3A_295 : i32
      %parallel_loop3A_297 = arith.constant 31 : i32
      %parallel_loop3A_298 = arith.andi %parallel_loop3A_293, %parallel_loop3A_297 : i32
      %parallel_loop3A_299 = arith.constant 16 : i32
      %parallel_loop3A_300 = arith.muli %parallel_loop3A_298, %parallel_loop3A_299 : i32
      %parallel_loop3A_301 = arith.index_cast %parallel_loop3A_296 : i32 to index
      %parallel_loop3A_302 = arith.index_cast %parallel_loop3A_300 : i32 to index
      %parallel_loop3A_303 = tpu.vector_load %arg6[%parallel_loop3A_301, %parallel_loop3A_302] {strides = array<i32>} : memref<32x512xf32, #tpu.memory_space<vmem>>, vector<16xf32>,
      %parallel_loop3A_304 = arith.index_cast %parallel_loop3A_296 : i32 to index
      %parallel_loop3A_305 = arith.index_cast %parallel_loop3A_300 : i32 to index
      %parallel_loop3A_306 = tpu.vector_load %arg8[%parallel_loop3A_304, %parallel_loop3A_305] {strides = array<i32>} : memref<32x512xi32, #tpu.memory_space<vmem>>, vector<16xi32>,
      %parallel_loop3A_307 = arith.sitofp %parallel_loop3A_306 : vector<16xi32> to vector<16xf32>
      %parallel_loop3A_308 = arith.constant 2.000000e+00 : f32
      %parallel_loop3A_309 = vector.broadcast %parallel_loop3A_308 : f32 to vector<16xf32>
      %parallel_loop3A_310 = arith.mulf %parallel_loop3A_309, %parallel_loop3A_307 : vector<16xf32>
      %parallel_loop3A_311 = arith.constant 1.000000e+00 : f32
      %parallel_loop3A_312 = vector.broadcast %parallel_loop3A_311 : f32 to vector<16xf32>
      %parallel_loop3A_313 = arith.subf %parallel_loop3A_310, %parallel_loop3A_312 : vector<16xf32>
      %parallel_loop3A_314 = arith.mulf %parallel_loop3A_303, %parallel_loop3A_313 : vector<16xf32>
      %parallel_loop3A_315 = arith.constant 1.000000e+00 : f32
      %parallel_loop3A_316 = vector.broadcast %parallel_loop3A_315 : f32 to vector<16xf32>
      %parallel_loop3A_317 = arith.subf %parallel_loop3A_316, %parallel_loop3A_314 : vector<16xf32>
      %parallel_loop3A_318 = arith.constant 0.000000e+00 : f32
      %parallel_loop3A_319 = vector.broadcast %parallel_loop3A_318 : f32 to vector<16xf32>
      %parallel_loop3A_320 = arith.cmpf ogt, %parallel_loop3A_317, %parallel_loop3A_319 : vector<16xf32>
      %parallel_loop3A_321 = arith.constant 5.120000e+02 : f32
      %parallel_loop3A_322 = vector.broadcast %parallel_loop3A_321 : f32 to vector<16xf32>
      %parallel_loop3A_323 = arith.mulf %parallel_loop3A_317, %parallel_loop3A_322 : vector<16xf32>
      %parallel_loop3A_324 = arith.fptosi %parallel_loop3A_323 : vector<16xf32> to vector<16xi32>
      %parallel_loop3A_325 = arith.constant 4095 : i32
      %parallel_loop3A_326 = vector.broadcast %parallel_loop3A_325 : i32 to vector<16xi32>
      %parallel_loop3A_327 = arith.minsi %parallel_loop3A_324, %parallel_loop3A_326 : vector<16xi32>
      %parallel_loop3A_328 = arith.constant 1 : i32
      %parallel_loop3A_329 = vector.broadcast %parallel_loop3A_328 : i32 to vector<16xi32>
      %parallel_loop3A_330 = arith.cmpi eq, %parallel_loop3A_306, %parallel_loop3A_329 : vector<16xi32>
      %parallel_loop3A_331 = arith.constant 4096 : i32
      %parallel_loop3A_332 = vector.broadcast %parallel_loop3A_331 : i32 to vector<16xi32>
      %parallel_loop3A_333 = arith.addi %parallel_loop3A_327, %parallel_loop3A_332 : vector<16xi32>
      %parallel_loop3A_334 = arith.select %parallel_loop3A_330, %parallel_loop3A_327, %parallel_loop3A_333 : vector<16xi1>, vector<16xi32>
      %parallel_loop3A_335 = arith.constant 7 : i32
      %parallel_loop3A_336 = vector.broadcast %parallel_loop3A_335 : i32 to vector<16xi32>
      %parallel_loop3A_337 = arith.shrsi %parallel_loop3A_334, %parallel_loop3A_336 : vector<16xi32>
      %parallel_loop3A_338 = arith.constant 127 : i32
      %parallel_loop3A_339 = vector.broadcast %parallel_loop3A_338 : i32 to vector<16xi32>
      %parallel_loop3A_340 = arith.andi %parallel_loop3A_334, %parallel_loop3A_339 : vector<16xi32>
      tpu.vector_store_idx %arg9[%parallel_loop3A_337, %parallel_loop3A_340], %broadcast_in_dim3A_3 masked %parallel_loop3A_320 {add = true} : memref<65x128xf32, #tpu.memory_space<vmem>>[vector<16xi32>, vector<16xi32>], vector<16xf32>, vector<16xi1>
      %parallel_loop3A_341 = arith.addf %parallel_loop3A_294, %parallel_loop3A_307 : vector<16xf32>
      scf.yield %parallel_loop3A_341 : vector<16xf32>
    } {sc.loop_unroll_factor = 8 : i64, sc.parallel_access}
    %mul3A_200 = arith.constant 4 : i32
    %mul3A_201 = arith.muli %add3A, %mul3A_200 : i32
    %add3A_202 = arith.constant 3 : i32
    %add3A_203 = arith.addi %mul3A_201, %add3A_202 : i32
    %jit3A_204 = arith.constant 16 : i32
    %div3A_205 = arith.divsi %add3A_203, %jit3A_204 : i32
    %sign3A_206 = arith.constant 0 : i32
    %sign3A_207 = arith.cmpi sgt, %add3A_203, %sign3A_206 : i32
    %sign3A_208 = arith.extui %sign3A_207 : i1 to i32
    %sign3A_209 = arith.constant 0 : i32
    %sign3A_210 = arith.cmpi slt, %add3A_203, %sign3A_209 : i32
    %sign3A_211 = arith.extui %sign3A_210 : i1 to i32
    %sign3A_212 = arith.subi %sign3A_208, %sign3A_211 : i32
    %sign3A_213 = arith.constant 0 : i32
    %sign3A_214 = arith.cmpi sgt, %jit3A_204, %sign3A_213 : i32
    %sign3A_215 = arith.extui %sign3A_214 : i1 to i32
    %sign3A_216 = arith.constant 0 : i32
    %sign3A_217 = arith.cmpi slt, %jit3A_204, %sign3A_216 : i32
    %sign3A_218 = arith.extui %sign3A_217 : i1 to i32
    %sign3A_219 = arith.subi %sign3A_215, %sign3A_218 : i32
    %ne3A_220 = arith.cmpi ne, %sign3A_212, %sign3A_219 : i32
    %rem3A_221 = arith.remsi %add3A_203, %jit3A_204 : i32
    %ne3A_222 = arith.constant 0 : i32
    %ne3A_223 = arith.cmpi ne, %rem3A_221, %ne3A_222 : i32
    %and3A_224 = arith.andi %ne3A_220, %ne3A_223 : i1
    %sub3A_225 = arith.constant 1 : i32
    %sub3A_226 = arith.subi %div3A_205, %sub3A_225 : i32
    %select_n3A_227 = arith.select %and3A_224, %sub3A_226, %div3A_205 : i32
    %jit3A_228 = arith.constant 16 : i32
    %eq3A_229 = arith.constant 0 : i32
    %eq3A_230 = arith.cmpi eq, %jit3A_228, %eq3A_229 : i32
    %jit3A_231 = arith.constant 1 : i32
    %select_n3A_232 = arith.select %eq3A_230, %jit3A_231, %jit3A_228 : i32
    %rem3A_233 = arith.remsi %add3A_203, %select_n3A_232 : i32
    %ne3A_234 = arith.constant 0 : i32
    %ne3A_235 = arith.cmpi ne, %rem3A_233, %ne3A_234 : i32
    %lt3A_236 = arith.constant 0 : i32
    %lt3A_237 = arith.cmpi slt, %rem3A_233, %lt3A_236 : i32
    %lt3A_238 = arith.constant 0 : i32
    %lt3A_239 = arith.cmpi slt, %select_n3A_232, %lt3A_238 : i32
    %ne3A_240 = arith.xori %lt3A_237, %lt3A_239 : i1
    %and3A_241 = arith.andi %ne3A_240, %ne3A_235 : i1
    %add3A_242 = arith.addi %rem3A_233, %select_n3A_232 : i32
    %select_n3A_243 = arith.select %and3A_241, %add3A_242, %rem3A_233 : i32
    %mul3A_244 = arith.constant 32 : i32
    %mul3A_245 = arith.muli %select_n3A_243, %mul3A_244 : i32
    %dma_start3A_246 = arith.constant 0 : i32
    %dma_start3A_247 = tpu.memref_slice %arg2[%select_n3A_227, %mul3A_245, %dma_start3A_246] : memref<8x512x512xf32, #tpu.memory_space<hbm>> -> memref<1x32x512xf32, #tpu.memory_space<hbm>>
    %dma_start3A_248 = tpu.memref_squeeze %dma_start3A_247 : memref<1x32x512xf32, #tpu.memory_space<hbm>> -> memref<32x512xf32, #tpu.memory_space<hbm>>
    %dma_start3A_249 = arith.constant 0 : i32
    %dma_start3A_250 = tpu.memref_slice %arg2[%select_n3A_227, %mul3A_245, %dma_start3A_249] : memref<8x512x512xf32, #tpu.memory_space<hbm>> -> memref<1x32x512xf32, #tpu.memory_space<hbm>>
    %dma_start3A_251 = tpu.memref_squeeze %dma_start3A_250 : memref<1x32x512xf32, #tpu.memory_space<hbm>> -> memref<32x512xf32, #tpu.memory_space<hbm>>
    tpu.enqueue_dma source(%dma_start3A_251 : memref<32x512xf32, #tpu.memory_space<hbm>>) target(%arg6 : memref<32x512xf32, #tpu.memory_space<vmem>>) target_semaphore(%arg11 : memref<!tpu.dma_semaphore, #tpu.memory_space<semaphore_mem>>)
    %dma_start3A_252 = arith.constant 0 : i32
    %dma_start3A_253 = tpu.memref_slice %arg3[%select_n3A_227, %mul3A_245, %dma_start3A_252] : memref<8x512x512xi32, #tpu.memory_space<hbm>> -> memref<1x32x512xi32, #tpu.memory_space<hbm>>
    %dma_start3A_254 = tpu.memref_squeeze %dma_start3A_253 : memref<1x32x512xi32, #tpu.memory_space<hbm>> -> memref<32x512xi32, #tpu.memory_space<hbm>>
    %dma_start3A_255 = arith.constant 0 : i32
    %dma_start3A_256 = tpu.memref_slice %arg3[%select_n3A_227, %mul3A_245, %dma_start3A_255] : memref<8x512x512xi32, #tpu.memory_space<hbm>> -> memref<1x32x512xi32, #tpu.memory_space<hbm>>
    %dma_start3A_257 = tpu.memref_squeeze %dma_start3A_256 : memref<1x32x512xi32, #tpu.memory_space<hbm>> -> memref<32x512xi32, #tpu.memory_space<hbm>>
    tpu.enqueue_dma source(%dma_start3A_257 : memref<32x512xi32, #tpu.memory_space<hbm>>) target(%arg8 : memref<32x512xi32, #tpu.memory_space<vmem>>) target_semaphore(%arg13 : memref<!tpu.dma_semaphore, #tpu.memory_space<semaphore_mem>>)
    %dma_wait3A_258 = arith.constant 0 : i32
    %dma_wait3A_259 = tpu.memref_slice %arg2[%select_n3A_153, %mul3A_171, %dma_wait3A_258] : memref<8x512x512xf32, #tpu.memory_space<hbm>> -> memref<1x32x512xf32, #tpu.memory_space<hbm>>
    %dma_wait3A_260 = tpu.memref_squeeze %dma_wait3A_259 : memref<1x32x512xf32, #tpu.memory_space<hbm>> -> memref<32x512xf32, #tpu.memory_space<hbm>>
    %dma_wait3A_261 = arith.constant 0 : i32
    %dma_wait3A_262 = tpu.memref_slice %arg2[%select_n3A_153, %mul3A_171, %dma_wait3A_261] : memref<8x512x512xf32, #tpu.memory_space<hbm>> -> memref<1x32x512xf32, #tpu.memory_space<hbm>>
    %dma_wait3A_263 = tpu.memref_squeeze %dma_wait3A_262 : memref<1x32x512xf32, #tpu.memory_space<hbm>> -> memref<32x512xf32, #tpu.memory_space<hbm>>
    tpu.wait_dma2 semaphore(%arg10 : memref<!tpu.dma_semaphore, #tpu.memory_space<semaphore_mem>>) src(%dma_wait3A_263 : memref<32x512xf32, #tpu.memory_space<hbm>>) dst(%arg5 : memref<32x512xf32, #tpu.memory_space<vmem>>)
    %dma_wait3A_264 = arith.constant 0 : i32
    %dma_wait3A_265 = tpu.memref_slice %arg3[%select_n3A_153, %mul3A_171, %dma_wait3A_264] : memref<8x512x512xi32, #tpu.memory_space<hbm>> -> memref<1x32x512xi32, #tpu.memory_space<hbm>>
    %dma_wait3A_266 = tpu.memref_squeeze %dma_wait3A_265 : memref<1x32x512xi32, #tpu.memory_space<hbm>> -> memref<32x512xi32, #tpu.memory_space<hbm>>
    %dma_wait3A_267 = arith.constant 0 : i32
    %dma_wait3A_268 = tpu.memref_slice %arg3[%select_n3A_153, %mul3A_171, %dma_wait3A_267] : memref<8x512x512xi32, #tpu.memory_space<hbm>> -> memref<1x32x512xi32, #tpu.memory_space<hbm>>
    %dma_wait3A_269 = tpu.memref_squeeze %dma_wait3A_268 : memref<1x32x512xi32, #tpu.memory_space<hbm>> -> memref<32x512xi32, #tpu.memory_space<hbm>>
    tpu.wait_dma2 semaphore(%arg12 : memref<!tpu.dma_semaphore, #tpu.memory_space<semaphore_mem>>) src(%dma_wait3A_269 : memref<32x512xi32, #tpu.memory_space<hbm>>) dst(%arg7 : memref<32x512xi32, #tpu.memory_space<vmem>>)
    %parallel_loop3A_270 = arith.constant 0 : i32
    %parallel_loop3A_271 = arith.constant 1024 : i32
    %parallel_loop3A_272 = arith.constant 1 : i32
    %parallel_loop3A_273 = scf.for %parallel_loop3A_293 = %parallel_loop3A_270 to %parallel_loop3A_271 step %parallel_loop3A_272 iter_args(%parallel_loop3A_294 = %parallel_loop3A_199) -> (vector<16xf32>)  : i32 {
      %parallel_loop3A_295 = arith.constant 5 : i32
      %parallel_loop3A_296 = arith.shrsi %parallel_loop3A_293, %parallel_loop3A_295 : i32
      %parallel_loop3A_297 = arith.constant 31 : i32
      %parallel_loop3A_298 = arith.andi %parallel_loop3A_293, %parallel_loop3A_297 : i32
      %parallel_loop3A_299 = arith.constant 16 : i32
      %parallel_loop3A_300 = arith.muli %parallel_loop3A_298, %parallel_loop3A_299 : i32
      %parallel_loop3A_301 = arith.index_cast %parallel_loop3A_296 : i32 to index
      %parallel_loop3A_302 = arith.index_cast %parallel_loop3A_300 : i32 to index
      %parallel_loop3A_303 = tpu.vector_load %arg5[%parallel_loop3A_301, %parallel_loop3A_302] {strides = array<i32>} : memref<32x512xf32, #tpu.memory_space<vmem>>, vector<16xf32>,
      %parallel_loop3A_304 = arith.index_cast %parallel_loop3A_296 : i32 to index
      %parallel_loop3A_305 = arith.index_cast %parallel_loop3A_300 : i32 to index
      %parallel_loop3A_306 = tpu.vector_load %arg7[%parallel_loop3A_304, %parallel_loop3A_305] {strides = array<i32>} : memref<32x512xi32, #tpu.memory_space<vmem>>, vector<16xi32>,
      %parallel_loop3A_307 = arith.sitofp %parallel_loop3A_306 : vector<16xi32> to vector<16xf32>
      %parallel_loop3A_308 = arith.constant 2.000000e+00 : f32
      %parallel_loop3A_309 = vector.broadcast %parallel_loop3A_308 : f32 to vector<16xf32>
      %parallel_loop3A_310 = arith.mulf %parallel_loop3A_309, %parallel_loop3A_307 : vector<16xf32>
      %parallel_loop3A_311 = arith.constant 1.000000e+00 : f32
      %parallel_loop3A_312 = vector.broadcast %parallel_loop3A_311 : f32 to vector<16xf32>
      %parallel_loop3A_313 = arith.subf %parallel_loop3A_310, %parallel_loop3A_312 : vector<16xf32>
      %parallel_loop3A_314 = arith.mulf %parallel_loop3A_303, %parallel_loop3A_313 : vector<16xf32>
      %parallel_loop3A_315 = arith.constant 1.000000e+00 : f32
      %parallel_loop3A_316 = vector.broadcast %parallel_loop3A_315 : f32 to vector<16xf32>
      %parallel_loop3A_317 = arith.subf %parallel_loop3A_316, %parallel_loop3A_314 : vector<16xf32>
      %parallel_loop3A_318 = arith.constant 0.000000e+00 : f32
      %parallel_loop3A_319 = vector.broadcast %parallel_loop3A_318 : f32 to vector<16xf32>
      %parallel_loop3A_320 = arith.cmpf ogt, %parallel_loop3A_317, %parallel_loop3A_319 : vector<16xf32>
      %parallel_loop3A_321 = arith.constant 5.120000e+02 : f32
      %parallel_loop3A_322 = vector.broadcast %parallel_loop3A_321 : f32 to vector<16xf32>
      %parallel_loop3A_323 = arith.mulf %parallel_loop3A_317, %parallel_loop3A_322 : vector<16xf32>
      %parallel_loop3A_324 = arith.fptosi %parallel_loop3A_323 : vector<16xf32> to vector<16xi32>
      %parallel_loop3A_325 = arith.constant 4095 : i32
      %parallel_loop3A_326 = vector.broadcast %parallel_loop3A_325 : i32 to vector<16xi32>
      %parallel_loop3A_327 = arith.minsi %parallel_loop3A_324, %parallel_loop3A_326 : vector<16xi32>
      %parallel_loop3A_328 = arith.constant 1 : i32
      %parallel_loop3A_329 = vector.broadcast %parallel_loop3A_328 : i32 to vector<16xi32>
      %parallel_loop3A_330 = arith.cmpi eq, %parallel_loop3A_306, %parallel_loop3A_329 : vector<16xi32>
      %parallel_loop3A_331 = arith.constant 4096 : i32
      %parallel_loop3A_332 = vector.broadcast %parallel_loop3A_331 : i32 to vector<16xi32>
      %parallel_loop3A_333 = arith.addi %parallel_loop3A_327, %parallel_loop3A_332 : vector<16xi32>
      %parallel_loop3A_334 = arith.select %parallel_loop3A_330, %parallel_loop3A_327, %parallel_loop3A_333 : vector<16xi1>, vector<16xi32>
      %parallel_loop3A_335 = arith.constant 7 : i32
      %parallel_loop3A_336 = vector.broadcast %parallel_loop3A_335 : i32 to vector<16xi32>
      %parallel_loop3A_337 = arith.shrsi %parallel_loop3A_334, %parallel_loop3A_336 : vector<16xi32>
      %parallel_loop3A_338 = arith.constant 127 : i32
      %parallel_loop3A_339 = vector.broadcast %parallel_loop3A_338 : i32 to vector<16xi32>
      %parallel_loop3A_340 = arith.andi %parallel_loop3A_334, %parallel_loop3A_339 : vector<16xi32>
      tpu.vector_store_idx %arg9[%parallel_loop3A_337, %parallel_loop3A_340], %broadcast_in_dim3A_3 masked %parallel_loop3A_320 {add = true} : memref<65x128xf32, #tpu.memory_space<vmem>>[vector<16xi32>, vector<16xi32>], vector<16xf32>, vector<16xi1>
      %parallel_loop3A_341 = arith.addf %parallel_loop3A_294, %parallel_loop3A_307 : vector<16xf32>
      scf.yield %parallel_loop3A_341 : vector<16xf32>
    } {sc.loop_unroll_factor = 8 : i64, sc.parallel_access}
    %dma_wait3A_274 = arith.constant 0 : i32
    %dma_wait3A_275 = tpu.memref_slice %arg2[%select_n3A_227, %mul3A_245, %dma_wait3A_274] : memref<8x512x512xf32, #tpu.memory_space<hbm>> -> memref<1x32x512xf32, #tpu.memory_space<hbm>>
    %dma_wait3A_276 = tpu.memref_squeeze %dma_wait3A_275 : memref<1x32x512xf32, #tpu.memory_space<hbm>> -> memref<32x512xf32, #tpu.memory_space<hbm>>
    %dma_wait3A_277 = arith.constant 0 : i32
    %dma_wait3A_278 = tpu.memref_slice %arg2[%select_n3A_227, %mul3A_245, %dma_wait3A_277] : memref<8x512x512xf32, #tpu.memory_space<hbm>> -> memref<1x32x512xf32, #tpu.memory_space<hbm>>
    %dma_wait3A_279 = tpu.memref_squeeze %dma_wait3A_278 : memref<1x32x512xf32, #tpu.memory_space<hbm>> -> memref<32x512xf32, #tpu.memory_space<hbm>>
    tpu.wait_dma2 semaphore(%arg11 : memref<!tpu.dma_semaphore, #tpu.memory_space<semaphore_mem>>) src(%dma_wait3A_279 : memref<32x512xf32, #tpu.memory_space<hbm>>) dst(%arg6 : memref<32x512xf32, #tpu.memory_space<vmem>>)
    %dma_wait3A_280 = arith.constant 0 : i32
    %dma_wait3A_281 = tpu.memref_slice %arg3[%select_n3A_227, %mul3A_245, %dma_wait3A_280] : memref<8x512x512xi32, #tpu.memory_space<hbm>> -> memref<1x32x512xi32, #tpu.memory_space<hbm>>
    %dma_wait3A_282 = tpu.memref_squeeze %dma_wait3A_281 : memref<1x32x512xi32, #tpu.memory_space<hbm>> -> memref<32x512xi32, #tpu.memory_space<hbm>>
    %dma_wait3A_283 = arith.constant 0 : i32
    %dma_wait3A_284 = tpu.memref_slice %arg3[%select_n3A_227, %mul3A_245, %dma_wait3A_283] : memref<8x512x512xi32, #tpu.memory_space<hbm>> -> memref<1x32x512xi32, #tpu.memory_space<hbm>>
    %dma_wait3A_285 = tpu.memref_squeeze %dma_wait3A_284 : memref<1x32x512xi32, #tpu.memory_space<hbm>> -> memref<32x512xi32, #tpu.memory_space<hbm>>
    tpu.wait_dma2 semaphore(%arg13 : memref<!tpu.dma_semaphore, #tpu.memory_space<semaphore_mem>>) src(%dma_wait3A_285 : memref<32x512xi32, #tpu.memory_space<hbm>>) dst(%arg8 : memref<32x512xi32, #tpu.memory_space<vmem>>)
    %parallel_loop3A_286 = arith.constant 0 : i32
    %parallel_loop3A_287 = arith.constant 1024 : i32
    %parallel_loop3A_288 = arith.constant 1 : i32
    %parallel_loop3A_289 = scf.for %parallel_loop3A_293 = %parallel_loop3A_286 to %parallel_loop3A_287 step %parallel_loop3A_288 iter_args(%parallel_loop3A_294 = %parallel_loop3A_273) -> (vector<16xf32>)  : i32 {
      %parallel_loop3A_295 = arith.constant 5 : i32
      %parallel_loop3A_296 = arith.shrsi %parallel_loop3A_293, %parallel_loop3A_295 : i32
      %parallel_loop3A_297 = arith.constant 31 : i32
      %parallel_loop3A_298 = arith.andi %parallel_loop3A_293, %parallel_loop3A_297 : i32
      %parallel_loop3A_299 = arith.constant 16 : i32
      %parallel_loop3A_300 = arith.muli %parallel_loop3A_298, %parallel_loop3A_299 : i32
      %parallel_loop3A_301 = arith.index_cast %parallel_loop3A_296 : i32 to index
      %parallel_loop3A_302 = arith.index_cast %parallel_loop3A_300 : i32 to index
      %parallel_loop3A_303 = tpu.vector_load %arg6[%parallel_loop3A_301, %parallel_loop3A_302] {strides = array<i32>} : memref<32x512xf32, #tpu.memory_space<vmem>>, vector<16xf32>,
      %parallel_loop3A_304 = arith.index_cast %parallel_loop3A_296 : i32 to index
      %parallel_loop3A_305 = arith.index_cast %parallel_loop3A_300 : i32 to index
      %parallel_loop3A_306 = tpu.vector_load %arg8[%parallel_loop3A_304, %parallel_loop3A_305] {strides = array<i32>} : memref<32x512xi32, #tpu.memory_space<vmem>>, vector<16xi32>,
      %parallel_loop3A_307 = arith.sitofp %parallel_loop3A_306 : vector<16xi32> to vector<16xf32>
      %parallel_loop3A_308 = arith.constant 2.000000e+00 : f32
      %parallel_loop3A_309 = vector.broadcast %parallel_loop3A_308 : f32 to vector<16xf32>
      %parallel_loop3A_310 = arith.mulf %parallel_loop3A_309, %parallel_loop3A_307 : vector<16xf32>
      %parallel_loop3A_311 = arith.constant 1.000000e+00 : f32
      %parallel_loop3A_312 = vector.broadcast %parallel_loop3A_311 : f32 to vector<16xf32>
      %parallel_loop3A_313 = arith.subf %parallel_loop3A_310, %parallel_loop3A_312 : vector<16xf32>
      %parallel_loop3A_314 = arith.mulf %parallel_loop3A_303, %parallel_loop3A_313 : vector<16xf32>
      %parallel_loop3A_315 = arith.constant 1.000000e+00 : f32
      %parallel_loop3A_316 = vector.broadcast %parallel_loop3A_315 : f32 to vector<16xf32>
      %parallel_loop3A_317 = arith.subf %parallel_loop3A_316, %parallel_loop3A_314 : vector<16xf32>
      %parallel_loop3A_318 = arith.constant 0.000000e+00 : f32
      %parallel_loop3A_319 = vector.broadcast %parallel_loop3A_318 : f32 to vector<16xf32>
      %parallel_loop3A_320 = arith.cmpf ogt, %parallel_loop3A_317, %parallel_loop3A_319 : vector<16xf32>
      %parallel_loop3A_321 = arith.constant 5.120000e+02 : f32
      %parallel_loop3A_322 = vector.broadcast %parallel_loop3A_321 : f32 to vector<16xf32>
      %parallel_loop3A_323 = arith.mulf %parallel_loop3A_317, %parallel_loop3A_322 : vector<16xf32>
      %parallel_loop3A_324 = arith.fptosi %parallel_loop3A_323 : vector<16xf32> to vector<16xi32>
      %parallel_loop3A_325 = arith.constant 4095 : i32
      %parallel_loop3A_326 = vector.broadcast %parallel_loop3A_325 : i32 to vector<16xi32>
      %parallel_loop3A_327 = arith.minsi %parallel_loop3A_324, %parallel_loop3A_326 : vector<16xi32>
      %parallel_loop3A_328 = arith.constant 1 : i32
      %parallel_loop3A_329 = vector.broadcast %parallel_loop3A_328 : i32 to vector<16xi32>
      %parallel_loop3A_330 = arith.cmpi eq, %parallel_loop3A_306, %parallel_loop3A_329 : vector<16xi32>
      %parallel_loop3A_331 = arith.constant 4096 : i32
      %parallel_loop3A_332 = vector.broadcast %parallel_loop3A_331 : i32 to vector<16xi32>
      %parallel_loop3A_333 = arith.addi %parallel_loop3A_327, %parallel_loop3A_332 : vector<16xi32>
      %parallel_loop3A_334 = arith.select %parallel_loop3A_330, %parallel_loop3A_327, %parallel_loop3A_333 : vector<16xi1>, vector<16xi32>
      %parallel_loop3A_335 = arith.constant 7 : i32
      %parallel_loop3A_336 = vector.broadcast %parallel_loop3A_335 : i32 to vector<16xi32>
      %parallel_loop3A_337 = arith.shrsi %parallel_loop3A_334, %parallel_loop3A_336 : vector<16xi32>
      %parallel_loop3A_338 = arith.constant 127 : i32
      %parallel_loop3A_339 = vector.broadcast %parallel_loop3A_338 : i32 to vector<16xi32>
      %parallel_loop3A_340 = arith.andi %parallel_loop3A_334, %parallel_loop3A_339 : vector<16xi32>
      tpu.vector_store_idx %arg9[%parallel_loop3A_337, %parallel_loop3A_340], %broadcast_in_dim3A_3 masked %parallel_loop3A_320 {add = true} : memref<65x128xf32, #tpu.memory_space<vmem>>[vector<16xi32>, vector<16xi32>], vector<16xf32>, vector<16xi1>
      %parallel_loop3A_341 = arith.addf %parallel_loop3A_294, %parallel_loop3A_307 : vector<16xf32>
      scf.yield %parallel_loop3A_341 : vector<16xf32>
    } {sc.loop_unroll_factor = 8 : i64, sc.parallel_access}
    %swap3A = arith.constant 64 : i32
    %swap3A_290 = arith.index_cast %swap3A : i32 to index
    %swap3A_291 = arith.constant 0 : index
    %swap3A_292 = tpu.vector_load %arg9[%swap3A_290, %swap3A_291] {strides = array<i32>} : memref<65x128xf32, #tpu.memory_space<vmem>>, vector<16xf32>,
    tpu.vector_store %arg9[%swap3A_290, %swap3A_291], %parallel_loop3A_289 {strides = array<i32>} : memref<65x128xf32, #tpu.memory_space<vmem>>, vector<16xf32>,
    "tpu.region"() ({
      %run_scoped3A = tpu.sem_alloc : memref<!tpu.dma_semaphore, #tpu.memory_space<semaphore_mem>>
      %dma_start3A_293 = arith.constant 0 : i32
      %dma_start3A_294 = arith.constant 0 : i32
      %dma_start3A_295 = tpu.memref_slice %arg4[%add3A, %dma_start3A_293, %dma_start3A_294] : memref<32x65x128xf32, #tpu.memory_space<hbm>> -> memref<1x65x128xf32, #tpu.memory_space<hbm>>
      %dma_start3A_296 = tpu.memref_squeeze %dma_start3A_295 : memref<1x65x128xf32, #tpu.memory_space<hbm>> -> memref<65x128xf32, #tpu.memory_space<hbm>>
      %dma_start3A_297 = arith.constant 0 : i32
      %dma_start3A_298 = arith.constant 0 : i32
      %dma_start3A_299 = tpu.memref_slice %arg4[%add3A, %dma_start3A_297, %dma_start3A_298] : memref<32x65x128xf32, #tpu.memory_space<hbm>> -> memref<1x65x128xf32, #tpu.memory_space<hbm>>
      %dma_start3A_300 = tpu.memref_squeeze %dma_start3A_299 : memref<1x65x128xf32, #tpu.memory_space<hbm>> -> memref<65x128xf32, #tpu.memory_space<hbm>>
      tpu.enqueue_dma source(%arg9 : memref<65x128xf32, #tpu.memory_space<vmem>>) target(%dma_start3A_300 : memref<65x128xf32, #tpu.memory_space<hbm>>) target_semaphore(%run_scoped3A : memref<!tpu.dma_semaphore, #tpu.memory_space<semaphore_mem>>)
      %dma_wait3A_301 = arith.constant 0 : i32
      %dma_wait3A_302 = arith.constant 0 : i32
      %dma_wait3A_303 = tpu.memref_slice %arg4[%add3A, %dma_wait3A_301, %dma_wait3A_302] : memref<32x65x128xf32, #tpu.memory_space<hbm>> -> memref<1x65x128xf32, #tpu.memory_space<hbm>>
      %dma_wait3A_304 = tpu.memref_squeeze %dma_wait3A_303 : memref<1x65x128xf32, #tpu.memory_space<hbm>> -> memref<65x128xf32, #tpu.memory_space<hbm>>
      %dma_wait3A_305 = arith.constant 0 : i32
      %dma_wait3A_306 = arith.constant 0 : i32
      %dma_wait3A_307 = tpu.memref_slice %arg4[%add3A, %dma_wait3A_305, %dma_wait3A_306] : memref<32x65x128xf32, #tpu.memory_space<hbm>> -> memref<1x65x128xf32, #tpu.memory_space<hbm>>
      %dma_wait3A_308 = tpu.memref_squeeze %dma_wait3A_307 : memref<1x65x128xf32, #tpu.memory_space<hbm>> -> memref<65x128xf32, #tpu.memory_space<hbm>>
      tpu.wait_dma2 semaphore(%run_scoped3A : memref<!tpu.dma_semaphore, #tpu.memory_space<semaphore_mem>>) src(%arg9 : memref<65x128xf32, #tpu.memory_space<vmem>>) dst(%dma_wait3A_308 : memref<65x128xf32, #tpu.memory_space<hbm>>)
      tpu.yield
    }) : () -> ()
    return
  }
}

module attributes {stable_mosaic.version = 14 : i64} {
  func.func @_tc_scan_body(%arg0: memref<32x65x128xf32, #tpu.memory_space<vmem>>, %arg1: memref<1x1xf32, #tpu.memory_space<vmem>>) attributes {dimension_semantics = [], scalar_prefetch = 0 : i64, scratch_operands = 0 : i64, tpu.core_type = #tpu.core_type<tc>} {
    %get3A = arith.constant 0 : index
    %get3A_0 = arith.constant 0 : index
    %get3A_1 = arith.constant 0 : index
    %get3A_2 = vector.load %arg0[%get3A, %get3A_0, %get3A_1] : memref<32x65x128xf32, #tpu.memory_space<vmem>>, vector<32x65x128xf32>
    %reduce_sum3A = arith.constant dense<0.000000e+00> : vector<65x128xf32>
    %reduce_sum3A_3 = vector.multi_reduction <add>, %get3A_2, %reduce_sum3A [0] : vector<32x65x128xf32> to vector<65x128xf32>
    %slice3A = vector.extract_strided_slice %reduce_sum3A_3 {offsets = [0, 0], sizes = [32, 128], strides = [1, 1]} : vector<65x128xf32> to vector<32x128xf32>
    %slice3A_4 = vector.extract_strided_slice %reduce_sum3A_3 {offsets = [32, 0], sizes = [32, 128], strides = [1, 1]} : vector<65x128xf32> to vector<32x128xf32>
    %slice3A_5 = vector.extract_strided_slice %get3A_2 {offsets = [0, 64, 0], sizes = [32, 1, 16], strides = [1, 1, 1]} : vector<32x65x128xf32> to vector<32x1x16xf32>
    %squeeze3A = vector.shape_cast %slice3A_5 : vector<32x1x16xf32> to vector<32x16xf32>
    %reduce_sum3A_6 = vector.shape_cast %squeeze3A : vector<32x16xf32> to vector<1x32x16xf32>
    %reduce_sum3A_7 = arith.constant dense<0.000000e+00> : vector<1xf32>
    %reduce_sum3A_8 = vector.multi_reduction <add>, %reduce_sum3A_6, %reduce_sum3A_7 [1, 2] : vector<1x32x16xf32> to vector<1xf32>
    %reduce_sum3A_9 = vector.shape_cast %reduce_sum3A_8 : vector<1xf32> to vector<1x1x1xf32>
    %reduce_sum3A_10 = vector.extract %reduce_sum3A_9[0, 0, 0] : f32 from vector<1x1x1xf32>
    %iota3A = tpu.iota {dimensions = array<i32: 0>} : vector<32x128xi32>
    %iota3A_11 = tpu.iota {dimensions = array<i32: 1>} : vector<32x128xi32>
    %iota3A_12 = tpu.iota {dimensions = array<i32: 0>} : vector<128x128xi32>
    %iota3A_13 = tpu.iota {dimensions = array<i32: 1>} : vector<128x128xi32>
    %le3A = arith.cmpi sle, %iota3A_12, %iota3A_13 : vector<128x128xi32>
    %convert_element_type3A = arith.extui %le3A : vector<128x128xi1> to vector<128x128xi32>
    %convert_element_type3A_14 = arith.sitofp %convert_element_type3A : vector<128x128xi32> to vector<128x128xf32>
    %iota3A_15 = tpu.iota {dimensions = array<i32: 0>} : vector<32x32xi32>
    %iota3A_16 = tpu.iota {dimensions = array<i32: 1>} : vector<32x32xi32>
    %lt3A = arith.cmpi slt, %iota3A_16, %iota3A_15 : vector<32x32xi32>
    %convert_element_type3A_17 = arith.extui %lt3A : vector<32x32xi1> to vector<32x32xi32>
    %convert_element_type3A_18 = arith.sitofp %convert_element_type3A_17 : vector<32x32xi32> to vector<32x32xf32>
    %broadcast_in_dim3A = arith.constant 1.000000e+00 : f32
    %broadcast_in_dim3A_19 = vector.broadcast %broadcast_in_dim3A : f32 to vector<128x1xf32>
    %mul3A = arith.constant 128 : i32
    %mul3A_20 = vector.broadcast %mul3A : i32 to vector<32x128xi32>
    %mul3A_21 = arith.muli %iota3A, %mul3A_20 : vector<32x128xi32>
    %add3A = arith.addi %mul3A_21, %iota3A_11 : vector<32x128xi32>
    %convert_element_type3A_22 = arith.sitofp %add3A : vector<32x128xi32> to vector<32x128xf32>
    %add3A_23 = arith.constant 5.000000e-01 : f32
    %add3A_24 = vector.broadcast %add3A_23 : f32 to vector<32x128xf32>
    %add3A_25 = arith.addf %convert_element_type3A_22, %add3A_24 : vector<32x128xf32>
    %mul3A_26 = arith.constant 0.001953125 : f32
    %mul3A_27 = vector.broadcast %mul3A_26 : f32 to vector<32x128xf32>
    %mul3A_28 = arith.mulf %add3A_25, %mul3A_27 : vector<32x128xf32>
    %dot_general3A = arith.constant dense<0.000000e+00> : vector<32x128xf32>
    %dot_general3A_29 = tpu.matmul %slice3A_4, %convert_element_type3A_14, %dot_general3A {dimension_numbers = #tpu.dot_dimension_numbers<[1], [0], [0], [1], [0, 0, 1, 1], [], []>, precision = #tpu.contract_precision<fp32>, transpose_lhs_hint = false} : vector<32x128xf32>, vector<128x128xf32>, vector<32x128xf32> -> vector<32x128xf32>
    %dot_general3A_30 = arith.constant dense<0.000000e+00> : vector<32x1xf32>
    %dot_general3A_31 = tpu.matmul %slice3A_4, %broadcast_in_dim3A_19, %dot_general3A_30 {dimension_numbers = #tpu.dot_dimension_numbers<[1], [0], [0], [1], [0, 0, 1, 1], [], []>, precision = #tpu.contract_precision<fp32>, transpose_lhs_hint = false} : vector<32x128xf32>, vector<128x1xf32>, vector<32x1xf32> -> vector<32x1xf32>
    %dot_general3A_32 = arith.constant dense<0.000000e+00> : vector<32x1xf32>
    %dot_general3A_33 = tpu.matmul %convert_element_type3A_18, %dot_general3A_31, %dot_general3A_32 {dimension_numbers = #tpu.dot_dimension_numbers<[1], [0], [0], [1], [0, 0, 1, 1], [], []>, precision = #tpu.contract_precision<fp32>, transpose_lhs_hint = false} : vector<32x32xf32>, vector<32x1xf32>, vector<32x1xf32> -> vector<32x1xf32>
    %add3A_34 = vector.broadcast %dot_general3A_33 : vector<32x1xf32> to vector<32x128xf32>
    %add3A_35 = arith.addf %dot_general3A_29, %add3A_34 : vector<32x128xf32>
    %dot_general3A_36 = arith.constant dense<0.000000e+00> : vector<32x128xf32>
    %dot_general3A_37 = tpu.matmul %slice3A, %convert_element_type3A_14, %dot_general3A_36 {dimension_numbers = #tpu.dot_dimension_numbers<[1], [0], [0], [1], [0, 0, 1, 1], [], []>, precision = #tpu.contract_precision<fp32>, transpose_lhs_hint = false} : vector<32x128xf32>, vector<128x128xf32>, vector<32x128xf32> -> vector<32x128xf32>
    %dot_general3A_38 = arith.constant dense<0.000000e+00> : vector<32x1xf32>
    %dot_general3A_39 = tpu.matmul %slice3A, %broadcast_in_dim3A_19, %dot_general3A_38 {dimension_numbers = #tpu.dot_dimension_numbers<[1], [0], [0], [1], [0, 0, 1, 1], [], []>, precision = #tpu.contract_precision<fp32>, transpose_lhs_hint = false} : vector<32x128xf32>, vector<128x1xf32>, vector<32x1xf32> -> vector<32x1xf32>
    %dot_general3A_40 = arith.constant dense<0.000000e+00> : vector<32x1xf32>
    %dot_general3A_41 = tpu.matmul %convert_element_type3A_18, %dot_general3A_39, %dot_general3A_40 {dimension_numbers = #tpu.dot_dimension_numbers<[1], [0], [0], [1], [0, 0, 1, 1], [], []>, precision = #tpu.contract_precision<fp32>, transpose_lhs_hint = false} : vector<32x32xf32>, vector<32x1xf32>, vector<32x1xf32> -> vector<32x1xf32>
    %add3A_42 = vector.broadcast %dot_general3A_41 : vector<32x1xf32> to vector<32x128xf32>
    %add3A_43 = arith.addf %dot_general3A_37, %add3A_42 : vector<32x128xf32>
    %reduce_sum3A_44 = vector.shape_cast %slice3A_4 : vector<32x128xf32> to vector<1x32x128xf32>
    %reduce_sum3A_45 = arith.constant dense<0.000000e+00> : vector<1xf32>
    %reduce_sum3A_46 = vector.multi_reduction <add>, %reduce_sum3A_44, %reduce_sum3A_45 [1, 2] : vector<1x32x128xf32> to vector<1xf32>
    %reduce_sum3A_47 = vector.shape_cast %reduce_sum3A_46 : vector<1xf32> to vector<1x1x1xf32>
    %reduce_sum3A_48 = vector.extract %reduce_sum3A_47[0, 0, 0] : f32 from vector<1x1x1xf32>
    %sub3A = vector.broadcast %reduce_sum3A_48 : f32 to vector<32x128xf32>
    %sub3A_49 = arith.subf %sub3A, %add3A_35 : vector<32x128xf32>
    %reduce_sum3A_50 = vector.shape_cast %slice3A : vector<32x128xf32> to vector<1x32x128xf32>
    %reduce_sum3A_51 = arith.constant dense<0.000000e+00> : vector<1xf32>
    %reduce_sum3A_52 = vector.multi_reduction <add>, %reduce_sum3A_50, %reduce_sum3A_51 [1, 2] : vector<1x32x128xf32> to vector<1xf32>
    %reduce_sum3A_53 = vector.shape_cast %reduce_sum3A_52 : vector<1xf32> to vector<1x1x1xf32>
    %reduce_sum3A_54 = vector.extract %reduce_sum3A_53[0, 0, 0] : f32 from vector<1x1x1xf32>
    %sub3A_55 = vector.broadcast %reduce_sum3A_54 : f32 to vector<32x128xf32>
    %sub3A_56 = arith.subf %sub3A_55, %add3A_43 : vector<32x128xf32>
    %add3A_57 = vector.broadcast %reduce_sum3A_10 : f32 to vector<32x128xf32>
    %add3A_58 = arith.addf %add3A_57, %sub3A_49 : vector<32x128xf32>
    %add3A_59 = arith.addf %add3A_58, %slice3A_4 : vector<32x128xf32>
    %gt3A = arith.constant 0.000000e+00 : f32
    %gt3A_60 = vector.broadcast %gt3A : f32 to vector<32x128xf32>
    %gt3A_61 = arith.cmpf ogt, %add3A_58, %gt3A_60 : vector<32x128xf32>
    %max3A = arith.constant 1.000000e+00 : f32
    %max3A_62 = vector.broadcast %max3A : f32 to vector<32x128xf32>
    %max3A_63 = arith.maximumf %add3A_58, %max3A_62 : vector<32x128xf32>
    %div3A = arith.constant 1.000000e+00 : f32
    %div3A_64 = vector.broadcast %div3A : f32 to vector<32x128xf32>
    %div3A_65 = arith.divf %div3A_64, %max3A_63 : vector<32x128xf32>
    %jit3A = arith.constant 0.000000e+00 : f32
    %broadcast_in_dim3A_66 = vector.broadcast %jit3A : f32 to vector<32x128xf32>
    %select_n3A = arith.select %gt3A_61, %div3A_65, %broadcast_in_dim3A_66 : vector<32x128xi1>, vector<32x128xf32>
    %gt3A_67 = arith.constant 0.000000e+00 : f32
    %gt3A_68 = vector.broadcast %gt3A_67 : f32 to vector<32x128xf32>
    %gt3A_69 = arith.cmpf ogt, %add3A_59, %gt3A_68 : vector<32x128xf32>
    %max3A_70 = arith.constant 1.000000e+00 : f32
    %max3A_71 = vector.broadcast %max3A_70 : f32 to vector<32x128xf32>
    %max3A_72 = arith.maximumf %add3A_59, %max3A_71 : vector<32x128xf32>
    %div3A_73 = arith.constant 1.000000e+00 : f32
    %div3A_74 = vector.broadcast %div3A_73 : f32 to vector<32x128xf32>
    %div3A_75 = arith.divf %div3A_74, %max3A_72 : vector<32x128xf32>
    %jit3A_76 = arith.constant 0.000000e+00 : f32
    %broadcast_in_dim3A_77 = vector.broadcast %jit3A_76 : f32 to vector<32x128xf32>
    %select_n3A_78 = arith.select %gt3A_69, %div3A_75, %broadcast_in_dim3A_77 : vector<32x128xi1>, vector<32x128xf32>
    %mul3A_79 = arith.mulf %slice3A, %mul3A_28 : vector<32x128xf32>
    %mul3A_80 = arith.mulf %mul3A_79, %select_n3A : vector<32x128xf32>
    %add3A_81 = arith.addf %sub3A_56, %slice3A : vector<32x128xf32>
    %sub3A_82 = vector.broadcast %reduce_sum3A_10 : f32 to vector<32x128xf32>
    %sub3A_83 = arith.subf %sub3A_82, %add3A_81 : vector<32x128xf32>
    %sub3A_84 = arith.subf %select_n3A, %select_n3A_78 : vector<32x128xf32>
    %mul3A_85 = arith.mulf %sub3A_83, %sub3A_84 : vector<32x128xf32>
    %mul3A_86 = arith.mulf %mul3A_28, %mul3A_85 : vector<32x128xf32>
    %add3A_87 = arith.addf %mul3A_80, %mul3A_86 : vector<32x128xf32>
    %reduce_sum3A_88 = vector.shape_cast %add3A_87 : vector<32x128xf32> to vector<1x32x128xf32>
    %reduce_sum3A_89 = arith.constant dense<0.000000e+00> : vector<1xf32>
    %reduce_sum3A_90 = vector.multi_reduction <add>, %reduce_sum3A_88, %reduce_sum3A_89 [1, 2] : vector<1x32x128xf32> to vector<1xf32>
    %reduce_sum3A_91 = vector.shape_cast %reduce_sum3A_90 : vector<1xf32> to vector<1x1x1xf32>
    %reduce_sum3A_92 = vector.extract %reduce_sum3A_91[0, 0, 0] : f32 from vector<1x1x1xf32>
    %broadcast_in_dim3A_93 = vector.broadcast %reduce_sum3A_92 : f32 to vector<1x1xf32>
    %swap3A = arith.constant 0 : index
    %swap3A_94 = arith.constant 0 : index
    %swap3A_95 = vector.load %arg1[%swap3A, %swap3A_94] : memref<1x1xf32, #tpu.memory_space<vmem>>, vector<1x1xf32>
    tpu.vector_store %arg1[%swap3A, %swap3A_94], %broadcast_in_dim3A_93 {strides = array<i32>} : memref<1x1xf32, #tpu.memory_space<vmem>>, vector<1x1xf32>,
    return
  }
}

</mosaic_0001>

<sc_bundles>
// kernel: kernel.4.cloned.1.call-start
scs
__scs_entry_jumppad:
0x0: {  	(pc) =	sbr.rel $0x88, $3  }
0x1: {  	(tag) =	ssettag $0x0;
	lr =	simm.s32 $0x1  }
0x2: {  	[smem:$0x3F9F] =	sst lr;
	_ =	strace $0xD0000000  }
0x3: {  	_ = 	snop  }
0x4: {  	_ = 	snop  }
0x5: {  	_ = 	snop  }
0x6: {  	_ = 	snop  }
0x7: {  	_ = 	snop  }
__scs_overlays_trampoline_lowered:
0x8: {  	[smem:$0x3FAE] =	sst s0  }
0x9: {  	[smem:$0x3FAF] =	sst s1  }
0xa: {  	[smem:$0x3FB0] =	sst s2  }
0xb: {  	[smem:$0x3FB1] =	sst s3  }
0xc: {  	[smem:$0x3FB2] =	sst s4  }
0xd: {  	[smem:$0x3FB3] =	sst s5  }
0xe: {  	[smem:$0x3FB4] =	sst s6  }
0xf: {  	[smem:$0x3FB5] =	sst s7  }
0x10: {  	[smem:$0x3FB6] =	sst s8  }
0x11: {  	[smem:$0x3FB7] =	sst s9;
	s0 =	simm.s32 @!p0 $0x0  }
0x12: {  	s1 =	sld [smem:$0x3F9D];
	s0 =	simm.s32 @p0 $0x1  }
0x13: {  	[smem:$0x3FB8] =	sst s0;
	s0 =	simm.s32 @!p1 $0x0  }
0x14: {  	s2 =	sld [smem:$0x3F9C];
	s0 =	simm.s32 @p1 $0x1  }
0x15: {  	[smem:$0x3FB9] =	sst s0;
	s0 =	simm.s32 @!p2 $0x0  }
0x16: {  	s3 =	sld [smem:$0x3FDB];
	s0 =	simm.s32 @p2 $0x1  }
0x17: {  	s4 =	simm.s32 $0x1BF5;
	[smem:$0x3FBB] =	sst s0  }
0x18: {  	s0 =	sld [smem:$0x3F9E];
	_ =	swait.ge [sflag:s4], $0x0  }
0x19: {  	s7 =	sld [smem:$0x3F9F]  }
0x1a: {  	s8 =	sadd.s32 $0xFFFFE003, lr  }
0x1b: {  	s9 =	sadd.s32 $0xFFFFFEF7, lr;
	s5 =	simm.s32 $0xFFFFFFFF;
	p2 =	slt.u32 s8, $0xFFFFF086  }
0x1c: {  	p1 =	slt.u32 s9, $0xF7A;
	s5 =	simm.s32 @!p2 $0x0  }
0x1d: {  	s5 =	simm.s32 @p1 $0x1;
	p0 =	seq.s32 s7, s2  }
0x1e: {  	s7 =	smul.u32 @!p0 $0xF7A, s2;
	p2 =	seq.s32 @!p0 s5, $0x0  }
0x1f: {  	s9 =	smul.u32 $0xF7A, s1;
	s8 =	simm.s32 @!p0 $0x1BF5;
	p2 =	por !p2, p0  }
0x20: {  	[sflag:s8] =	ssyncset.s32 @!p0 $0xFFFFF086;
	s6 =	sadd.s32 @!p0 s3, s7;
	s7 =	simm.s32 @!p0 $0x108  }
0x21: {  	s3 =	sadd.s32 s3, s9;
	s6 =	sadd.s32 @!p0 $0x88, s6;
	s7 =	simm.s32 @p2 $0x1082  }
0x22: {  	[simem:s7], [sflag:s8] =	dma.local @!p0 [hbm:s6], $0xF7A  }
0x23: {  	s9 =	sor.u32 $0xD0000000, s2;
	s6 =	simm.s32 $0x108;
	_ =	swait.ge @!p0 [sflag:s8], $0x0  }
0x24: {  	s3 =	sadd.s32 $0x88, s3;
	s6 =	simm.s32 @!p1 $0x1082;
	[sflag:s4] =	ssyncset.s32 $0xFFFFF086  }
0x25: {  	[simem:s6], [sflag:s4] =	dma.local [hbm:s3], $0xF7A  }
0x26: {  	[smem:$0x3F9F] =	sst s1;
	(tag) =	ssettag s2;
	_ =	strace s9  }
0x27: {  	s1 =	sld [smem:$0x3FAF]  }
0x28: {  	s2 =	sld [smem:$0x3FB0]  }
0x29: {  	s4 =	sld [smem:$0x3FB2]  }
0x2a: {  	p0 =	seq.s32 s5, $0x0;
	s5 =	sld [smem:$0x3FB3]  }
0x2b: {  	s6 =	sld [smem:$0x3FB4]  }
0x2c: {  	s7 =	sld [smem:$0x3FB5]  }
0x2d: {  	s3 =	simm.s32 $0x108;
	s8 =	sld [smem:$0x3FB6]  }
0x2e: {  	s3 =	simm.s32 @!p0 $0x1082;
	s9 =	sld [smem:$0x3FB7]  }
0x2f: {  	lr =	sadd.s32 s0, s3;
	s0 =	sld [smem:$0x3FAE]  }
0x30: {  	s3 =	sld [smem:$0x3FB1]  }
0x31: {  	[smem:$0x3FBA] =	sst s10  }
0x32: {  	s10 =	sld [smem:$0x3FB8];
	_ =	sdelay $0x3  }
0x33: {  	p0 =	seq.s32 s10, $0x1;
	s10 =	sld [smem:$0x3FBA];
	_ =	sdelay $0x3  }
0x34: {  	[smem:$0x3FBA] =	sst s10  }
0x35: {  	s10 =	sld [smem:$0x3FB9];
	_ =	sdelay $0x3  }
0x36: {  	p1 =	seq.s32 s10, $0x1;
	s10 =	sld [smem:$0x3FBA];
	_ =	sdelay $0x3  }
0x37: {  	[smem:$0x3FBA] =	sst s10  }
0x38: {  	s10 =	sld [smem:$0x3FBB]  }
0x39: {  	_ = 	snop;
	(pc) =	sbr.ind lr, $3  }
0x3a: {  	_ = 	snop  }
0x3b: {  	_ = 	snop  }
0x3c: {  	p2 =	seq.s32 s10, $0x1;
	s10 =	sld [smem:$0x3FBA]  }
0x3d: {  	_ =	shalt  }
0x3e: {  	_ =	shalt  }
0x3f: {  	_ =	shalt  }
0x40: {  	_ =	shalt  }
0x41: {  	_ =	shalt  }
0x42: {  	_ =	shalt  }
0x43: {  	_ =	shalt  }
0x44: {  	_ =	shalt  }
0x45: {  	_ =	shalt  }
0x46: {  	_ =	shalt  }
0x47: {  	_ =	shalt  }
0x48: {  	_ =	shalt  }
0x49: {  	_ =	shalt  }
0x4a: {  	_ =	shalt  }
0x4b: {  	_ =	shalt  }
0x4c: {  	_ =	shalt  }
0x4d: {  	_ =	shalt  }
0x4e: {  	_ =	shalt  }
0x4f: {  	_ =	shalt  }
0x50: {  	_ =	shalt  }
0x51: {  	_ =	shalt  }
0x52: {  	_ =	shalt  }
0x53: {  	_ =	shalt  }
0x54: {  	_ =	shalt  }
0x55: {  	_ =	shalt  }
0x56: {  	_ =	shalt  }
0x57: {  	_ =	shalt  }
0x58: {  	_ =	shalt  }
0x59: {  	_ =	shalt  }
0x5a: {  	_ =	shalt  }
0x5b: {  	_ =	shalt  }
0x5c: {  	_ =	shalt  }
0x5d: {  	_ =	shalt  }
0x5e: {  	_ =	shalt  }
0x5f: {  	_ =	shalt  }
0x60: {  	_ =	shalt  }
0x61: {  	_ =	shalt  }
0x62: {  	_ =	shalt  }
0x63: {  	_ =	shalt  }
0x64: {  	_ =	shalt  }
0x65: {  	_ =	shalt  }
0x66: {  	_ =	shalt  }
0x67: {  	_ =	shalt  }
0x68: {  	_ =	shalt  }
0x69: {  	_ =	shalt  }
0x6a: {  	_ =	shalt  }
0x6b: {  	_ =	shalt  }
0x6c: {  	_ =	shalt  }
0x6d: {  	_ =	shalt  }
0x6e: {  	_ =	shalt  }
0x6f: {  	_ =	shalt  }
0x70: {  	_ =	shalt  }
0x71: {  	_ =	shalt  }
0x72: {  	_ =	shalt  }
0x73: {  	_ =	shalt  }
0x74: {  	_ =	shalt  }
0x75: {  	_ =	shalt  }
0x76: {  	_ =	shalt  }
0x77: {  	_ =	shalt  }
0x78: {  	_ =	shalt  }
0x79: {  	_ =	shalt  }
0x7a: {  	_ =	shalt  }
0x7b: {  	_ =	shalt  }
0x7c: {  	_ =	shalt  }
0x7d: {  	_ =	shalt  }
0x7e: {  	_ =	shalt  }
0x7f: {  	_ =	shalt  }
0x80: {  	_ =	shalt  }
0x81: {  	_ =	shalt  }
0x82: {  	_ =	shalt  }
0x83: {  	_ =	shalt  }
0x84: {  	_ =	shalt  }
0x85: {  	_ =	shalt  }
0x86: {  	_ =	shalt  }
0x87: {  	_ =	shalt  }
.Lfunc_end0:
.L_simem_size_0:
called_computation_lowered:
.L_overlay_start_0:
0x88: {  	s2 =	sld [smem:$0x3FD9]  }
0x89: {  	s3 =	sld [smem:$0x3FFE];
	_ =	sdelay $0x1  }
0x8a: {  	s1 =	srdreg.scid  }
0x8b: {  	s0 =	sand.u32 $0x1, s1  }
0x8c: {  	s17 =	sshll.u32 s0, $0xA;
	s2 =	sadd.s32 s3, s2  }
0x8d: {  	s2 =	sadd.s32 s2, s17  }
0x8e: {  	[smem:$0x3FC6] =	sst s2  }
0x8f: {  	_ = 	snop  }
0x90: {  	s2 =	sld [smem:$0x3FC9]  }
0x91: {  	s18 =	sld [smem:$0x3FC8];
	(tm) =	ssettm $0x1  }
0x92: {  	s4 =	sld [smem:$0x3FFB];
	_ =	sdelay $0x3  }
0x93: {  	_ =	strace s4  }
0x94: {  	s4 =	sld [smem:$0x3FFC];
	_ =	sdelay $0x3  }
0x95: {  	_ =	strace s4  }
0x96: {  	s4 =	sld [smem:$0x3FFD];
	_ =	sdelay $0x3  }
0x97: {  	_ =	strace s4  }
0x98: {  	_ =	strace $0x8FFFFFFF  }
0x99: {  	s19 =	sld [smem:$0x3FDB];
	_ =	sdelay $0x1  }
0x9a: {  	s5 =	simm.s32 $_scs_section_size  }
0x9b: {  	s6 =	simm.s32 $_size__tile_overlayer_lowered;
	s7 =	simm.s32 $_tile_overlayer_lowered  }
0x9c: {  	s22 =	simm.s32 $0x1BFF;
	s21 =	sshll.u32 s7, $0x1;
	s4 =	sadd.s32 s5, s19  }
0x9d: {  	s8 =	simm.s32 $0x0;
	s20 =	sshll.u32 s6, $0x1;
	s6 =	sadd.s32 s21, s4  }
0x9e: {  	[timem:s8], [sflag:s22] =	dma.local [hbm:s6], s20  }
0x9f: {  	_ =	swait.ge [sflag:s22], s20  }
0xa0: {  	s5 =	ssub.s32 $0x0, s20;
	[sflag:s22] =	ssyncset.done $0x0  }
0xa1: {  	[sflag:s22] =	ssyncadd.s32 s5;
	_ =	sdelay $0x1  }
0xa2: {  	s23 =	simm.s32 $0x1B8B  }
0xa3: {  	_ =	swait.ge [sflag:s23], $0x1  }
0xa4: {  	[sflag:s23] =	ssyncset.done $0x0  }
0xa5: {  	s25 =	simm.s32 $0x1B8E;
	s24 =	sld [smem:$0x3FFE];
	[sflag:s23] =	ssyncadd.s32 $0xFFFFFFFF  }
0xa6: {  	s26 =	simm.s32 $execute0_lowered;
	[smem:$0x3FD2] =	sst s25  }
0xa7: {  	s6 =	sshll.u32 s26, $0x1;
	_ =	strace $0x80000046;
	[dreg:$0x1] =	wrdreg $0xFFFFFFFF  }
0xa8: {  	s28 =	simm.s32 $_size_execute0_lowered;
	s4 =	sadd.s32 s4, s6;
	[dreg:$0x0] =	wrdreg $0x0  }
0xa9: {  	s6 =	sshll.u32 s28, $0x1;
	[dreg:$0x2] =	wrdreg s4  }
0xaa: {  	[dreg:$0x3] =	wrdreg s6  }
0xab: {  	[dreg:$0x4] =	wrdreg $0xC0  }
0xac: {  	_ =	task [dreg:s8], $0x5FFFF  }
0xad: {  	[dreg:$0x1] =	wrdreg $0xFFFFFFFF  }
0xae: {  	[dreg:$0x0] =	wrdreg $0x60  }
0xaf: {  	[dreg:$0x2] =	wrdreg s2  }
0xb0: {  	[dreg:$0x3] =	wrdreg s18  }
0xb1: {  	[dreg:$0x4] =	wrdreg s24  }
0xb2: {  	[dreg:$0x5] =	wrdreg $0x9  }
0xb3: {  	_ =	task.clear_ibuf [dreg:s8], $0x6FFFF;
	_ =	strace $0x90000046  }
0xb4: {  	s29 =	simm.s32 $0x9;
	_ =	strace $0x80000048  }
0xb5: {  	_ =	swait.ge [sflag:s29], $0x1  }
0xb6: {  	[sflag:s29] =	ssyncadd.s32 $0xFFFFFFFF  }
0xb7: {  	_ =	strace $0x90000048  }
0xb8: {  	_ =	sfence  }
0xb9: {  	s30 =	sld [smem:$0x0];
	_ =	sdelay $0x2  }
0xba: {  	s31 =	sshll.u32 s1, $0xD;
	s1 =	sshrl.u32 s1, $0x2  }
0xbb: {  	s3 =	sand.u32 $0x4000, s31;
	s1 =	sadd.s32 s1, s30  }
0xbc: {  	s0 =	sor.u32 s3, s0;
	s1 =	sshll.u32 s1, $0x11  }
0xbd: {  	s0 =	sor.u32 s1, s0  }
0xbe: {  	s0 =	sadd.s32 $0x8F2B, s0  }
0xbf: {  	[sflag:s0] =	ssyncadd.remote.s32 $0x1  }
0xc0: {  	_ =	sfence.sel $0xFFFF  }
0xc1: {  	[dreg:$0x0] =	wrdreg $0xFFFFFFFF;
	(pc) =	sbr.abs _section_cstart, $3  }
0xc2: {  	[dreg:$0x1] =	wrdreg $0xFFFFFFFF  }
0xc3: {  	_ =	task.clear_ibuf [dreg:s8], $0x2FFFF;
	_ =	strace $0x9FFFFFFF  }
0xc4: {  	(tm) =	ssettm $0x7FFFFFFF  }
0xc5: {  	_ =	shalt  }
tec
execute0_lowered:
.L_overlay_start_1:
0x0: {  	(tag) =	ssettag $0x1  }
0x1: {  	s9 =	rddreg [dreg:$0x0]  }
0x2: {  	s10 =	rddreg [dreg:$0x1];
	s1 =	srdreg.scid  }
0x3: {  	s0 =	stileid.u32;
	s3 =	rddreg [dreg:$0x2]  }
0x4: {  	s2 =	simm.s32 $0x0;
	s15 =	simm.s32 $0xC000;
	s16 =	simm.s32 $0x1  }
0x5: {  	s17 =	simm.s32 $0x3;
	s18 =	simm.s32 $0x10000;
	s19 =	simm.s32 $0x2  }
0x6: {  	s20 =	simm.s32 $0x4;
	s21 =	simm.s32 $0x5;
	s22 =	simm.s32 $0x0  }
0x7: {  	s4 =	sand.u32 $0x1, s1;
	s5 =	sshll.u32 s0, $0x1;
	s1 =	rddreg [dreg:$0x3]  }
0x8: {  	[smem:$0x7FF] =	sst s2;
	s5 =	sor.u32 s4, s5;
	s4 =	ssub.s32 $0x2, s4  }
0x9: {  	_ =	strace $0x80000047;
	s30 =	sshrl.u32 s4, $0x1;
	s8 =	sshll.u32 s5, $0xD  }
0xa: {  	s6 =	smul.u32 $0x480, s5;
	s12 =	ssub.s32 s4, s30;
	s31 =	sor.u32 $0x800, s8  }
0xb: {  	s4 =	sadd.s32 s10, s8;
	s13 =	sor.u32 $0x1000, s8;
	s14 =	sor.u32 $0x1800, s8  }
0xc: {  	s11 =	sadd.s32 s6, s3;
	s3 =	sadd.s32 s9, s8;
	s5 =	sadd.s32 s9, s31  }
0xd: {  	s6 =	sadd.s32 s10, s31;
	s7 =	sadd.s32 s9, s13;
	s8 =	sadd.s32 s10, s13  }
0xe: {  	s9 =	sadd.s32 s9, s14;
	s10 =	sadd.s32 s10, s14;
	s12 =	smax.u32 s12, $0x1  }
0xf: {  	v0 =	vimm.f32 $0.0e+00;
	v1 =	vimm.f32 $1.000000000e+00;
	s13 =	simm.s32 $0x8000;
	s14 =	simm.s32 $0x4000;
	s11 =	sadd.s32 $0x600, s11  }
.LBB2_1:
0x10: {  	s23 =	simm.s32 $0x10040  }
0x11: {  	[tilespmem:s23+$0xFFFFFFC0] =	vst v0  }
0x12: {  	[tilespmem:s23+$0x30] =	vst v0  }
0x13: {  	[tilespmem:s23+$0x20] =	vst v0  }
0x14: {  	[tilespmem:s23+$0x10] =	vst v0  }
0x15: {  	[tilespmem:s23+$0x0] =	vst v0  }
0x16: {  	[tilespmem:s23+$0xFFFFFFF0] =	vst v0  }
0x17: {  	s24 =	simm.s32 $0x0;
	[tilespmem:s23+$0xFFFFFFE0] =	vst v0  }
.LBB2_2:
0x18: {  	s24 =	sadd.s32 $0x8, s24;
	[tilespmem:s23+$0xFFFFFFD0] =	vst v0;
	s23 =	sadd.s32 $0x80, s23  }
0x19: {  	[tilespmem:s23+$0xFFFFFFC0] =	vst v0;
	p0 =	slt.u32 s24, $0x1F8  }
0x1a: {  	[tilespmem:s23+$0x30] =	vst v0  }
.Ltmp0:
0x1b: {  	[tilespmem:s23+$0x20] =	vst v0;
	(pc) =	sbr.rel @p0 .LBB2_2-.Ltmp0, $4  }
0x1c: {  	[tilespmem:s23+$0x10] =	vst v0  }
0x1d: {  	[tilespmem:s23+$0x0] =	vst v0  }
0x1e: {  	[tilespmem:s23+$0xFFFFFFF0] =	vst v0  }
0x1f: {  	[tilespmem:s23+$0xFFFFFFE0] =	vst v0  }
0x20: {  	[tilespmem:s23+$0xFFFFFFD0] =	vst v0;
	s23 =	simm.s32 $0x0  }
0x21: {  	[tilespmem:s23], [sflag:$0x1] =	stream.linear.gather [hbm4b:s3+s23], $0x4000, $0x38;
	[tilespmem:$0x12400] =	vst v63  }
0x22: {  	_ = 	snop  }
0x23: {  	[tilespmem:s13], [sflag:$0x3] =	stream.linear.gather [hbm4b:s4+s23], $0x4000, $0x38;
	[tilespmem:$0x12400] =	vst v63  }
0x24: {  	_ = 	snop  }
0x25: {  	[tilespmem:s14], [sflag:$0x2] =	stream.linear.gather [hbm4b:s5+s23], $0x4000, $0x38;
	[tilespmem:$0x12400] =	vst v63  }
0x26: {  	_ = 	snop  }
0x27: {  	[tilespmem:s15], [sflag:$0x4] =	stream.linear.gather [hbm4b:s6+s23], $0x4000, $0x38;
	[tilespmem:$0x12400] =	vst v63  }
0x28: {  	_ =	swait.ge [sflag:s16], $0x4000  }
0x29: {  	[sflag:s16] =	ssyncset.done $0x0  }
0x2a: {  	s24 =	simm.s32 $0x0;
	s26 =	simm.s32 $0x0;
	[sflag:s16] =	ssyncadd.s32 $0xFFFFC000  }
0x2b: {  	s24 =	sand.u32 $0x3000, s24;
	s25 =	sand.u32 $0xC00, s23;
	_ =	swait.ge [sflag:s17], $0x4000  }
0x2c: {  	s31 =	sand.u32 $0x380, s26;
	s24 =	sor.u32 s25, s24;
	[sflag:s17] =	ssyncset.done $0x0  }
0x2d: {  	s24 =	sor.u32 s31, s24;
	[sflag:s17] =	ssyncadd.s32 $0xFFFFC000  }
0x2e: {  	v2 =	vld [tilespmem:s24+$0x8000];
	_ =	sdelay $0x1  }
0x2f: {  	v3 =	vld [tilespmem:s24+$0x8010]  }
0x30: {  	v4 =	vld [tilespmem:s24+$0x8020]  }
0x31: {  	v7 =	vld [tilespmem:s24+$0x8030]  }
0x32: {  	v11 =	vld [tilespmem:s24+$0x8060];
	v5 =	vcvt.s32.f32 v2  }
0x33: {  	v6 =	vimm.f32 $0.0e+00  }
0x34: {  	v8 =	vld [tilespmem:s24+$0x0];
	v9 =	vcvt.s32.f32 v3;
	vm1 =	veq.s32 v2, $0x1;
	v6 =	vadd.f32 v5, v6  }
0x35: {  	v14 =	vld [tilespmem:s24+$0x8040];
	vm5 =	veq.s32 v3, $0x1;
	vm2 =	veq.s32 v4, $0x1;
	v2 =	vadd.f32 v5, v5  }
0x36: {  	vm3 =	veq.s32 v7, $0x1;
	v5 =	vld [tilespmem:s24+$0x10];
	v3 =	vadd.f32 v9, v6;
	v6 =	vcvt.s32.f32 v4  }
0x37: {  	v12 =	vld [tilespmem:s24+$0x8050];
	v17 =	vcvt.s32.f32 v11;
	v9 =	vadd.f32 v9, v9;
	v2 =	vadd.f32 $-1.000000000e+00, v2  }
0x38: {  	v4 =	vld [tilespmem:s24+$0x20];
	v13 =	vadd.f32 v6, v6;
	v3 =	vadd.f32 v6, v3;
	v6 =	vcvt.s32.f32 v7  }
0x39: {  	v18 =	vadd.f32 v17, v17;
	v2 =	vmul.f32 v2, v8;
	v8 =	vadd.f32 $-1.000000000e+00, v9  }
0x3a: {  	v9 =	vld [tilespmem:s24+$0x30];
	v15 =	vadd.f32 v6, v6;
	v3 =	vadd.f32 v6, v3;
	v6 =	vcvt.s32.f32 v14  }
0x3b: {  	v7 =	vld [tilespmem:s24+$0x8070];
	v10 =	vsub.f32 $1.000000000e+00, v2;
	v2 =	vmul.f32 v8, v5;
	v5 =	vadd.f32 $-1.000000000e+00, v13  }
0x3c: {  	v8 =	vld [tilespmem:s24+$0x40];
	v16 =	vadd.f32 v6, v6;
	v3 =	vadd.f32 v6, v3;
	v6 =	vcvt.s32.f32 v12  }
0x3d: {  	v13 =	vsub.f32 $1.000000000e+00, v2;
	v2 =	vmul.f32 v5, v4;
	v4 =	vadd.f32 $-1.000000000e+00, v15  }
0x3e: {  	vm4 =	veq.s32 v14, $0x1;
	v5 =	vadd.f32 v6, v6;
	v6 =	vadd.f32 v6, v3  }
0x3f: {  	v15 =	vld [tilespmem:s24+$0x50];
	v3 =	vsub.f32 $1.000000000e+00, v2;
	v2 =	vmul.f32 v4, v9;
	v9 =	vadd.f32 $-1.000000000e+00, v16  }
0x40: {  	v20 =	vmul.f32 $5.120000000e+02, v10;
	v16 =	vld [tilespmem:s24+$0x60];
	v6 =	vadd.f32 v17, v6;
	v17 =	vcvt.s32.f32 v7  }
0x41: {  	v19 =	vld [tilespmem:s24+$0x70];
	v4 =	vsub.f32 $1.000000000e+00, v2;
	v8 =	vmul.f32 v9, v8;
	v9 =	vadd.f32 $-1.000000000e+00, v5  }
0x42: {  	v14 =	vtrunc.f32 v20;
	v21 =	vadd.f32 v17, v17;
	v2 =	vadd.f32 v17, v6  }
0x43: {  	v22 =	vmul.f32 $5.120000000e+02, v3;
	v5 =	vsub.f32 $1.000000000e+00, v8;
	v8 =	vadd.f32 $-1.000000000e+00, v18  }
0x44: {  	v6 =	vmul.f32 v9, v15;
	v15 =	vmul.f32 $5.120000000e+02, v13;
	v9 =	vadd.f32 $-1.000000000e+00, v21  }
0x45: {  	v17 =	vmul.f32 $5.120000000e+02, v4;
	v8 =	vmul.f32 v8, v16  }
0x46: {  	v6 =	vsub.f32 $1.000000000e+00, v6;
	v18 =	vmul.f32 $5.120000000e+02, v5;
	v21 =	vmul.f32 v9, v19  }
0x47: {  	v16 =	vtrunc.f32 v15;
	v15 =	vtrunc.f32 v22  }
0x48: {  	s24 =	simm.s32 $0x0;
	v19 =	vmul.f32 $5.120000000e+02, v6;
	v9 =	vsub.f32 $1.000000000e+00, v8;
	v8 =	vsub.f32 $1.000000000e+00, v21  }
.LBB2_4:
0x49: {  	vm7 =	veq.s32 v12, $0x1;
	vm9 =	veq.s32 v7, $0x1;
	v7 =	vcvt.f32.s32 v14  }
0x4a: {  	vm0 =	vgt.f32 v13, $0.0e+00;
	v13 =	vcvt.f32.s32 v15;
	v17 =	vtrunc.f32 v17  }
0x4b: {  	vm8 =	veq.s32 v11, $0x1;
	v12 =	vmul.f32 $5.120000000e+02, v9;
	v18 =	vtrunc.f32 v18  }
0x4c: {  	vm6 =	vgt.f32 v10, $0.0e+00;
	v11 =	vmul.f32 $5.120000000e+02, v8;
	v19 =	vtrunc.f32 v19  }
0x4d: {  	vm10 =	vlt.s32 v7, $0xFFF;
	v14 =	vcvt.f32.s32 v17;
	v15 =	vcvt.f32.s32 v18  }
0x4e: {  	vm12 =	vlt.s32 v13, $0xFFF;
	v12 =	vtrunc.f32 v12;
	v10 =	vtrunc.f32 v11  }
0x4f: {  	v11 =	vimm.s32 $0x0;
	v7 =	vnsel vm10, $0xFFF, v7;
	v13 =	vnsel vm12, $0xFFF, v13  }
0x50: {  	vm12 =	vgt.f32 v3, $0.0e+00;
	v11 =	vsel vm0, $0xFFFFFFFF, v11;
	v12 =	vcvt.f32.s32 v12  }
0x51: {  	s24 =	sadd.s32 $0x8, s24;
	vm13 =	vlt.s32 v14, $0xFFF;
	v10 =	vcvt.f32.s32 v10;
	vm14 =	vlt.s32 v15, $0xFFF  }
0x52: {  	s23 =	sadd.s32 $0x400, s23;
	s25 =	sshll.u32 s24, $0x4;
	v18 =	vadd.s32 $0x1000, v7;
	v20 =	vadd.s32 $0x1000, v13;
	[tilespmem:$0x1FFF0] =	vst v11;
	v11 =	vcvt.f32.s32 v16  }
0x53: {  	s26 =	sand.u32 $0xC00, s23;
	s28 =	sshll.u32 s24, $0x2;
	s25 =	sand.u32 $0x3000, s25;
	v16 =	vcvt.f32.s32 v19;
	v14 =	vnsel vm13, $0xFFF, v14;
	v15 =	vnsel vm14, $0xFFF, v15  }
0x54: {  	s31 =	sand.u32 $0x380, s28;
	s25 =	sor.u32 s26, s25;
	v18 =	vsel vm1, v7, v18;
	v20 =	vsel vm2, v13, v20;
	vm13 =	vgt.f32 v4, $0.0e+00  }
0x55: {  	s25 =	sor.u32 s31, s25;
	vm14 =	vgt.f32 v6, $0.0e+00;
	vm0 =	vlt.s32 v12, $0xFFF;
	vm10 =	vlt.s32 v10, $0xFFF  }
0x56: {  	v17 =	vld [tilespmem:s25+$0x8000];
	v22 =	vadd.s32 $0x1000, v14;
	v23 =	vadd.s32 $0x1000, v15;
	vm11 =	vlt.s32 v11, $0xFFF  }
0x57: {  	v25 =	vld [tilespmem:s25+$0x8010];
	vm15 =	vlt.s32 v16, $0xFFF;
	v12 =	vnsel vm0, $0xFFF, v12;
	v10 =	vnsel vm10, $0xFFF, v10  }
0x58: {  	v21 =	vld [tilespmem:s25+$0x0];
	v14 =	vsel vm3, v14, v22;
	v15 =	vsel vm4, v15, v23;
	v11 =	vnsel vm11, $0xFFF, v11  }
0x59: {  	v27 =	vld [tilespmem:s25+$0x10];
	vm4 =	vgt.f32 v5, $0.0e+00;
	v16 =	vnsel vm15, $0xFFF, v16;
	v19 =	vadd.s32 $0x1000, v11  }
0x5a: {  	v7 =	vadd.s32 $0x1000, v12;
	v26 =	vadd.s32 $0x1000, v10;
	v19 =	vsel vm5, v11, v19;
	v11 =	vld [tilespmem:s25+$0x8020]  }
0x5b: {  	v56 =	vsel vm8, v12, v7;
	v57 =	vsel vm9, v10, v26;
	v10 =	vld [tilespmem:s25+$0x8030];
	v7 =	vcvt.s32.f32 v17  }
0x5c: {  	vm15 =	vgt.f32 v8, $0.0e+00;
	v24 =	vadd.s32 $0x1000, v16;
	v4 =	vcvt.s32.f32 v25;
	[tilespmem:v18+s18+$0x0] =	vst.idx.add.f32.msk vm6, v1  }
0x5d: {  	v16 =	vsel vm7, v16, v24;
	vm1 =	veq.s32 v17, $0x1;
	v18 =	vld [tilespmem:$0x1FFF0];
	v2 =	vadd.f32 v7, v2  }
0x5e: {  	v58 =	vld [tilespmem:s25+$0x8040];
	vm5 =	veq.s32 v25, $0x1;
	v3 =	vadd.f32 v7, v7;
	v6 =	vadd.f32 v4, v4  }
0x5f: {  	v60 =	vld [tilespmem:s25+$0x60];
	vm7 =	vgt.f32 v9, $0.0e+00;
	v2 =	vadd.f32 v4, v2;
	v4 =	vcvt.s32.f32 v11  }
0x60: {  	v12 =	vld [tilespmem:s25+$0x8050];
	v3 =	vadd.f32 $-1.000000000e+00, v3;
	v6 =	vadd.f32 $-1.000000000e+00, v6;
	vm3 =	veq.s32 v10, $0x1  }
0x61: {  	v17 =	vld [tilespmem:s25+$0x20];
	v7 =	vadd.f32 v4, v4;
	v2 =	vadd.f32 v4, v2;
	v4 =	vcvt.s32.f32 v10  }
0x62: {  	vm2 =	veq.s32 v11, $0x1;
	v11 =	vld [tilespmem:s25+$0x8060];
	vm0 =	vnez.u8 v18;
	v3 =	vmul.f32 v3, v21  }
0x63: {  	v5 =	vld [tilespmem:s25+$0x30];
	v59 =	vadd.f32 v4, v4;
	v2 =	vadd.f32 v4, v2;
	v4 =	vcvt.s32.f32 v58  }
0x64: {  	v10 =	vsub.f32 $1.000000000e+00, v3;
	v3 =	vmul.f32 v6, v27;
	v6 =	vadd.f32 $-1.000000000e+00, v7;
	v7 =	vld [tilespmem:s25+$0x8070]  }
0x65: {  	v62 =	vld [tilespmem:s25+$0x70];
	v61 =	vadd.f32 v4, v4;
	v2 =	vadd.f32 v4, v2;
	v4 =	vcvt.s32.f32 v12  }
0x66: {  	v9 =	vld [tilespmem:s25+$0x40];
	v13 =	vsub.f32 $1.000000000e+00, v3;
	v3 =	vmul.f32 v6, v17;
	v6 =	vadd.f32 $-1.000000000e+00, v59  }
0x67: {  	v8 =	vld [tilespmem:s25+$0x50];
	v17 =	vadd.f32 v4, v4;
	v2 =	vadd.f32 v4, v2;
	v4 =	vcvt.s32.f32 v11  }
0x68: {  	[tilespmem:v15+s18+$0x0] =	vst.idx.add.f32.msk vm4, v1;
	v15 =	vmul.f32 $5.120000000e+02, v13;
	v3 =	vsub.f32 $1.000000000e+00, v3;
	v5 =	vmul.f32 v6, v5  }
0x69: {  	[tilespmem:v19+s18+$0x0] =	vst.idx.add.f32.msk vm0, v1;
	v6 =	vadd.f32 $-1.000000000e+00, v61;
	v19 =	vcvt.s32.f32 v7;
	v18 =	vadd.f32 v4, v4  }
0x6a: {  	[tilespmem:v16+s18+$0x0] =	vst.idx.add.f32.msk vm14, v1;
	v16 =	vtrunc.f32 v15;
	v2 =	vadd.f32 v4, v2;
	v4 =	vsub.f32 $1.000000000e+00, v5  }
0x6b: {  	[tilespmem:v14+s18+$0x0] =	vst.idx.add.f32.msk vm13, v1;
	v5 =	vmul.f32 v6, v9;
	v6 =	vadd.f32 $-1.000000000e+00, v17;
	v14 =	vadd.f32 v19, v19  }
0x6c: {  	p0 =	slt.u32 s24, $0x3F8;
	[tilespmem:v20+s18+$0x0] =	vst.idx.add.f32.msk vm12, v1;
	vm4 =	veq.s32 v58, $0x1;
	v9 =	vmul.f32 $5.120000000e+02, v10;
	v20 =	vmul.f32 $5.120000000e+02, v3  }
.Ltmp1:
0x6d: {  	v6 =	vmul.f32 v6, v8;
	v8 =	vadd.f32 $-1.000000000e+00, v18;
	v14 =	vadd.f32 $-1.000000000e+00, v14;
	(pc) =	sbr.rel @p0 .LBB2_4-.Ltmp1, $4  }
0x6e: {  	v5 =	vsub.f32 $1.000000000e+00, v5;
	v17 =	vmul.f32 $5.120000000e+02, v4;
	v15 =	vtrunc.f32 v20  }
0x6f: {  	v6 =	vsub.f32 $1.000000000e+00, v6;
	v8 =	vmul.f32 v8, v60;
	v63 =	vmul.f32 v14, v62  }
0x70: {  	[tilespmem:v56+s18+$0x0] =	vst.idx.add.f32.msk vm7, v1;
	v2 =	vadd.f32 v19, v2;
	v18 =	vmul.f32 $5.120000000e+02, v5;
	v14 =	vtrunc.f32 v9  }
0x71: {  	[tilespmem:v57+s18+$0x0] =	vst.idx.add.f32.msk vm15, v1;
	v19 =	vmul.f32 $5.120000000e+02, v6;
	v9 =	vsub.f32 $1.000000000e+00, v8;
	v8 =	vsub.f32 $1.000000000e+00, v63  }
0x72: {  	v17 =	vtrunc.f32 v17;
	v18 =	vtrunc.f32 v18  }
0x73: {  	v14 =	vcvt.f32.s32 v14;
	v16 =	vcvt.f32.s32 v16  }
0x74: {  	v15 =	vcvt.f32.s32 v15;
	v20 =	vmul.f32 $5.120000000e+02, v9  }
0x75: {  	vm8 =	veq.s32 v12, $0x1;
	v21 =	vmul.f32 $5.120000000e+02, v8;
	v19 =	vtrunc.f32 v19  }
0x76: {  	vm7 =	vgt.f32 v13, $0.0e+00;
	v17 =	vcvt.f32.s32 v17;
	v18 =	vcvt.f32.s32 v18  }
0x77: {  	vm0 =	vlt.s32 v14, $0xFFF;
	vm6 =	vlt.s32 v16, $0xFFF;
	v19 =	vcvt.f32.s32 v19  }
0x78: {  	v12 =	vtrunc.f32 v20;
	v20 =	vtrunc.f32 v21;
	v14 =	vnsel vm0, $0xFFF, v14  }
0x79: {  	vm0 =	vlt.s32 v15, $0xFFF;
	v16 =	vnsel vm6, $0xFFF, v16;
	vm6 =	vlt.s32 v17, $0xFFF  }
0x7a: {  	v12 =	vcvt.f32.s32 v12;
	v20 =	vcvt.f32.s32 v20;
	v15 =	vnsel vm0, $0xFFF, v15  }
0x7b: {  	vm0 =	vlt.s32 v18, $0xFFF;
	v17 =	vnsel vm6, $0xFFF, v17;
	vm6 =	vlt.s32 v19, $0xFFF  }
0x7c: {  	v13 =	vadd.s32 $0x1000, v16;
	v18 =	vnsel vm0, $0xFFF, v18;
	vm0 =	veq.s32 v11, $0x1  }
0x7d: {  	v11 =	vnsel vm6, $0xFFF, v19;
	v19 =	vadd.s32 $0x1000, v14;
	vm6 =	vlt.s32 v12, $0xFFF  }
0x7e: {  	v13 =	vsel vm5, v16, v13;
	v12 =	vnsel vm6, $0xFFF, v12;
	vm6 =	vlt.s32 v20, $0xFFF  }
0x7f: {  	v20 =	vnsel vm6, $0xFFF, v20;
	vm6 =	vgt.f32 v10, $0.0e+00;
	v10 =	vsel vm1, v14, v19  }
0x80: {  	v14 =	vadd.s32 $0x1000, v15;
	v19 =	vadd.s32 $0x1000, v17;
	vm1 =	vgt.f32 v3, $0.0e+00  }
0x81: {  	v3 =	vadd.s32 $0x1000, v18;
	v14 =	vsel vm2, v15, v14;
	vm2 =	vgt.f32 v4, $0.0e+00  }
0x82: {  	v4 =	vadd.s32 $0x1000, v11;
	v15 =	vsel vm3, v17, v19;
	vm3 =	vgt.f32 v5, $0.0e+00  }
0x83: {  	v5 =	vadd.s32 $0x1000, v12;
	v3 =	vsel vm4, v18, v3;
	vm4 =	vgt.f32 v6, $0.0e+00  }
0x84: {  	v4 =	vsel vm8, v11, v4;
	v5 =	vsel vm0, v12, v5;
	vm0 =	vgt.f32 v9, $0.0e+00;
	[tilespmem:v13+s18+$0x0] =	vst.idx.add.f32.msk vm7, v1  }
0x85: {  	vm5 =	veq.s32 v7, $0x1;
	v6 =	vadd.s32 $0x1000, v20;
	[tilespmem:v10+s18+$0x0] =	vst.idx.add.f32.msk vm6, v1;
	vm6 =	vgt.f32 v8, $0.0e+00  }
0x86: {  	v6 =	vsel vm5, v20, v6;
	[tilespmem:v14+s18+$0x0] =	vst.idx.add.f32.msk vm1, v1  }
0x87: {  	[tilespmem:v15+s18+$0x0] =	vst.idx.add.f32.msk vm2, v1  }
0x88: {  	[tilespmem:v3+s18+$0x0] =	vst.idx.add.f32.msk vm3, v1  }
0x89: {  	[tilespmem:v4+s18+$0x0] =	vst.idx.add.f32.msk vm4, v1  }
0x8a: {  	[tilespmem:v5+s18+$0x0] =	vst.idx.add.f32.msk vm0, v1  }
0x8b: {  	s23 =	simm.s32 $0x0;
	[tilespmem:v6+s18+$0x0] =	vst.idx.add.f32.msk vm6, v1  }
0x8c: {  	[tilespmem:s23], [sflag:$0x1] =	stream.linear.gather [hbm4b:s7+s23], $0x4000, $0x38;
	[tilespmem:$0x12400] =	vst v63  }
0x8d: {  	_ = 	snop  }
0x8e: {  	[tilespmem:s13], [sflag:$0x3] =	stream.linear.gather [hbm4b:s8+s23], $0x4000, $0x38;
	[tilespmem:$0x12400] =	vst v63  }
0x8f: {  	_ =	swait.ge [sflag:s19], $0x4000  }
0x90: {  	[sflag:s19] =	ssyncset.done $0x0  }
0x91: {  	s24 =	simm.s32 $0x0;
	s26 =	simm.s32 $0x0;
	[sflag:s19] =	ssyncadd.s32 $0xFFFFC000  }
0x92: {  	s24 =	sand.u32 $0x3000, s24;
	s25 =	sand.u32 $0xC00, s23;
	_ =	swait.ge [sflag:s20], $0x4000  }
0x93: {  	s31 =	sand.u32 $0x380, s26;
	s24 =	sor.u32 s25, s24;
	[sflag:s20] =	ssyncset.done $0x0  }
0x94: {  	s24 =	sor.u32 s31, s24;
	[sflag:s20] =	ssyncadd.s32 $0xFFFFC000  }
0x95: {  	v3 =	vld [tilespmem:s24+$0xC000];
	_ =	sdelay $0x1  }
0x96: {  	v4 =	vld [tilespmem:s24+$0xC010];
	_ =	sdelay $0x1  }
0x97: {  	v5 =	vld [tilespmem:s24+$0xC020]  }
0x98: {  	v7 =	vld [tilespmem:s24+$0xC030];
	v6 =	vcvt.s32.f32 v3  }
0x99: {  	v8 =	vld [tilespmem:s24+$0x4000]  }
0x9a: {  	v14 =	vld [tilespmem:s24+$0xC040];
	v9 =	vcvt.s32.f32 v4;
	v2 =	vadd.f32 v6, v2  }
0x9b: {  	vm1 =	veq.s32 v3, $0x1;
	vm5 =	veq.s32 v4, $0x1;
	v3 =	vadd.f32 v6, v6  }
0x9c: {  	v4 =	vcvt.s32.f32 v5;
	vm2 =	veq.s32 v5, $0x1;
	v6 =	vld [tilespmem:s24+$0x4010];
	v2 =	vadd.f32 v9, v2  }
0x9d: {  	v12 =	vld [tilespmem:s24+$0xC050];
	vm3 =	veq.s32 v7, $0x1;
	v9 =	vadd.f32 v9, v9;
	v3 =	vadd.f32 $-1.000000000e+00, v3  }
0x9e: {  	v5 =	vld [tilespmem:s24+$0x4020];
	v13 =	vadd.f32 v4, v4;
	v2 =	vadd.f32 v4, v2;
	v4 =	vcvt.s32.f32 v7  }
0x9f: {  	v11 =	vld [tilespmem:s24+$0xC060];
	vm4 =	veq.s32 v14, $0x1;
	v3 =	vmul.f32 v3, v8;
	v8 =	vadd.f32 $-1.000000000e+00, v9  }
0xa0: {  	v9 =	vld [tilespmem:s24+$0x4030];
	v15 =	vadd.f32 v4, v4;
	v2 =	vadd.f32 v4, v2;
	v4 =	vcvt.s32.f32 v14  }
0xa1: {  	v7 =	vld [tilespmem:s24+$0xC070];
	v10 =	vsub.f32 $1.000000000e+00, v3;
	v3 =	vmul.f32 v8, v6;
	v6 =	vadd.f32 $-1.000000000e+00, v13  }
0xa2: {  	v8 =	vld [tilespmem:s24+$0x4040];
	v16 =	vadd.f32 v4, v4;
	v2 =	vadd.f32 v4, v2;
	v4 =	vcvt.s32.f32 v12  }
0xa3: {  	v13 =	vsub.f32 $1.000000000e+00, v3;
	v3 =	vmul.f32 v6, v5;
	v5 =	vadd.f32 $-1.000000000e+00, v15  }
0xa4: {  	v6 =	vld [tilespmem:s24+$0x4050];
	v15 =	vadd.f32 v4, v4;
	v2 =	vadd.f32 v4, v2;
	v4 =	vcvt.s32.f32 v11  }
0xa5: {  	v3 =	vsub.f32 $1.000000000e+00, v3;
	v5 =	vmul.f32 v5, v9;
	v9 =	vadd.f32 $-1.000000000e+00, v16  }
0xa6: {  	v18 =	vcvt.s32.f32 v7;
	v16 =	vld [tilespmem:s24+$0x4060];
	v17 =	vadd.f32 v4, v4;
	v2 =	vadd.f32 v4, v2  }
0xa7: {  	v19 =	vld [tilespmem:s24+$0x4070];
	v4 =	vsub.f32 $1.000000000e+00, v5;
	v5 =	vmul.f32 v9, v8;
	v8 =	vadd.f32 $-1.000000000e+00, v15  }
0xa8: {  	v20 =	vmul.f32 $5.120000000e+02, v13;
	v9 =	vmul.f32 $5.120000000e+02, v10;
	v15 =	vadd.f32 v18, v18  }
0xa9: {  	v63 =	vmul.f32 $5.120000000e+02, v3;
	v6 =	vmul.f32 v8, v6;
	v8 =	vadd.f32 $-1.000000000e+00, v17  }
0xaa: {  	v5 =	vsub.f32 $1.000000000e+00, v5;
	v15 =	vadd.f32 $-1.000000000e+00, v15;
	v17 =	vmul.f32 $5.120000000e+02, v4  }
0xab: {  	v2 =	vadd.f32 v18, v2;
	v14 =	vtrunc.f32 v9;
	v8 =	vmul.f32 v8, v16  }
0xac: {  	v6 =	vsub.f32 $1.000000000e+00, v6;
	v18 =	vmul.f32 $5.120000000e+02, v5;
	v22 =	vmul.f32 v15, v19  }
0xad: {  	v16 =	vtrunc.f32 v20;
	v15 =	vtrunc.f32 v63  }
0xae: {  	s24 =	simm.s32 $0x0;
	v19 =	vmul.f32 $5.120000000e+02, v6;
	v9 =	vsub.f32 $1.000000000e+00, v8;
	v8 =	vsub.f32 $1.000000000e+00, v22  }
.LBB2_6:
0xaf: {  	vm7 =	veq.s32 v12, $0x1;
	vm9 =	veq.s32 v7, $0x1;
	v7 =	vcvt.f32.s32 v14  }
0xb0: {  	vm0 =	vgt.f32 v13, $0.0e+00;
	v13 =	vcvt.f32.s32 v15;
	v17 =	vtrunc.f32 v17  }
0xb1: {  	vm8 =	veq.s32 v11, $0x1;
	v12 =	vmul.f32 $5.120000000e+02, v9;
	v18 =	vtrunc.f32 v18  }
0xb2: {  	vm6 =	vgt.f32 v10, $0.0e+00;
	v11 =	vmul.f32 $5.120000000e+02, v8;
	v19 =	vtrunc.f32 v19  }
0xb3: {  	vm10 =	vlt.s32 v7, $0xFFF;
	v14 =	vcvt.f32.s32 v17;
	v15 =	vcvt.f32.s32 v18  }
0xb4: {  	vm12 =	vlt.s32 v13, $0xFFF;
	v12 =	vtrunc.f32 v12;
	v10 =	vtrunc.f32 v11  }
0xb5: {  	v11 =	vimm.s32 $0x0;
	v7 =	vnsel vm10, $0xFFF, v7;
	v13 =	vnsel vm12, $0xFFF, v13  }
0xb6: {  	vm12 =	vgt.f32 v3, $0.0e+00;
	v11 =	vsel vm0, $0xFFFFFFFF, v11;
	v12 =	vcvt.f32.s32 v12  }
0xb7: {  	s24 =	sadd.s32 $0x8, s24;
	vm13 =	vlt.s32 v14, $0xFFF;
	v10 =	vcvt.f32.s32 v10;
	vm14 =	vlt.s32 v15, $0xFFF  }
0xb8: {  	s23 =	sadd.s32 $0x400, s23;
	s25 =	sshll.u32 s24, $0x4;
	v18 =	vadd.s32 $0x1000, v7;
	v20 =	vadd.s32 $0x1000, v13;
	[tilespmem:$0x1FFE0] =	vst v11;
	v11 =	vcvt.f32.s32 v16  }
0xb9: {  	s26 =	sand.u32 $0xC00, s23;
	s28 =	sshll.u32 s24, $0x2;
	s25 =	sand.u32 $0x3000, s25;
	v16 =	vcvt.f32.s32 v19;
	v14 =	vnsel vm13, $0xFFF, v14;
	v15 =	vnsel vm14, $0xFFF, v15  }
0xba: {  	s31 =	sand.u32 $0x380, s28;
	s25 =	sor.u32 s26, s25;
	v18 =	vsel vm1, v7, v18;
	v20 =	vsel vm2, v13, v20;
	vm13 =	vgt.f32 v4, $0.0e+00  }
0xbb: {  	s25 =	sor.u32 s31, s25;
	vm14 =	vgt.f32 v6, $0.0e+00;
	vm0 =	vlt.s32 v12, $0xFFF;
	vm10 =	vlt.s32 v10, $0xFFF  }
0xbc: {  	v17 =	vld [tilespmem:s25+$0xC000];
	v22 =	vadd.s32 $0x1000, v14;
	v23 =	vadd.s32 $0x1000, v15;
	vm11 =	vlt.s32 v11, $0xFFF  }
0xbd: {  	v25 =	vld [tilespmem:s25+$0xC010];
	vm15 =	vlt.s32 v16, $0xFFF;
	v12 =	vnsel vm0, $0xFFF, v12;
	v10 =	vnsel vm10, $0xFFF, v10  }
0xbe: {  	v21 =	vld [tilespmem:s25+$0x4000];
	v14 =	vsel vm3, v14, v22;
	v15 =	vsel vm4, v15, v23;
	v11 =	vnsel vm11, $0xFFF, v11  }
0xbf: {  	v27 =	vld [tilespmem:s25+$0x4010];
	vm4 =	vgt.f32 v5, $0.0e+00;
	v16 =	vnsel vm15, $0xFFF, v16;
	v19 =	vadd.s32 $0x1000, v11  }
0xc0: {  	v7 =	vadd.s32 $0x1000, v12;
	v26 =	vadd.s32 $0x1000, v10;
	v19 =	vsel vm5, v11, v19;
	v11 =	vld [tilespmem:s25+$0xC020]  }
0xc1: {  	v56 =	vsel vm8, v12, v7;
	v57 =	vsel vm9, v10, v26;
	v10 =	vld [tilespmem:s25+$0xC030];
	v7 =	vcvt.s32.f32 v17  }
0xc2: {  	vm15 =	vgt.f32 v8, $0.0e+00;
	v24 =	vadd.s32 $0x1000, v16;
	v4 =	vcvt.s32.f32 v25;
	[tilespmem:v18+s18+$0x0] =	vst.idx.add.f32.msk vm6, v1  }
0xc3: {  	v16 =	vsel vm7, v16, v24;
	vm1 =	veq.s32 v17, $0x1;
	v18 =	vld [tilespmem:$0x1FFE0];
	v2 =	vadd.f32 v7, v2  }
0xc4: {  	v58 =	vld [tilespmem:s25+$0xC040];
	vm5 =	veq.s32 v25, $0x1;
	v3 =	vadd.f32 v7, v7;
	v6 =	vadd.f32 v4, v4  }
0xc5: {  	v60 =	vld [tilespmem:s25+$0x4060];
	vm7 =	vgt.f32 v9, $0.0e+00;
	v2 =	vadd.f32 v4, v2;
	v4 =	vcvt.s32.f32 v11  }
0xc6: {  	v12 =	vld [tilespmem:s25+$0xC050];
	v3 =	vadd.f32 $-1.000000000e+00, v3;
	v6 =	vadd.f32 $-1.000000000e+00, v6;
	vm3 =	veq.s32 v10, $0x1  }
0xc7: {  	v17 =	vld [tilespmem:s25+$0x4020];
	v7 =	vadd.f32 v4, v4;
	v2 =	vadd.f32 v4, v2;
	v4 =	vcvt.s32.f32 v10  }
0xc8: {  	vm2 =	veq.s32 v11, $0x1;
	v11 =	vld [tilespmem:s25+$0xC060];
	vm0 =	vnez.u8 v18;
	v3 =	vmul.f32 v3, v21  }
0xc9: {  	v5 =	vld [tilespmem:s25+$0x4030];
	v59 =	vadd.f32 v4, v4;
	v2 =	vadd.f32 v4, v2;
	v4 =	vcvt.s32.f32 v58  }
0xca: {  	v10 =	vsub.f32 $1.000000000e+00, v3;
	v3 =	vmul.f32 v6, v27;
	v6 =	vadd.f32 $-1.000000000e+00, v7;
	v7 =	vld [tilespmem:s25+$0xC070]  }
0xcb: {  	v62 =	vld [tilespmem:s25+$0x4070];
	v61 =	vadd.f32 v4, v4;
	v2 =	vadd.f32 v4, v2;
	v4 =	vcvt.s32.f32 v12  }
0xcc: {  	v9 =	vld [tilespmem:s25+$0x4040];
	v13 =	vsub.f32 $1.000000000e+00, v3;
	v3 =	vmul.f32 v6, v17;
	v6 =	vadd.f32 $-1.000000000e+00, v59  }
0xcd: {  	v8 =	vld [tilespmem:s25+$0x4050];
	v17 =	vadd.f32 v4, v4;
	v2 =	vadd.f32 v4, v2;
	v4 =	vcvt.s32.f32 v11  }
0xce: {  	[tilespmem:v15+s18+$0x0] =	vst.idx.add.f32.msk vm4, v1;
	v15 =	vmul.f32 $5.120000000e+02, v13;
	v3 =	vsub.f32 $1.000000000e+00, v3;
	v5 =	vmul.f32 v6, v5  }
0xcf: {  	[tilespmem:v19+s18+$0x0] =	vst.idx.add.f32.msk vm0, v1;
	v6 =	vadd.f32 $-1.000000000e+00, v61;
	v19 =	vcvt.s32.f32 v7;
	v18 =	vadd.f32 v4, v4  }
0xd0: {  	[tilespmem:v16+s18+$0x0] =	vst.idx.add.f32.msk vm14, v1;
	v16 =	vtrunc.f32 v15;
	v2 =	vadd.f32 v4, v2;
	v4 =	vsub.f32 $1.000000000e+00, v5  }
0xd1: {  	[tilespmem:v14+s18+$0x0] =	vst.idx.add.f32.msk vm13, v1;
	v5 =	vmul.f32 v6, v9;
	v6 =	vadd.f32 $-1.000000000e+00, v17;
	v14 =	vadd.f32 v19, v19  }
0xd2: {  	p0 =	slt.u32 s24, $0x3F8;
	[tilespmem:v20+s18+$0x0] =	vst.idx.add.f32.msk vm12, v1;
	vm4 =	veq.s32 v58, $0x1;
	v9 =	vmul.f32 $5.120000000e+02, v10;
	v20 =	vmul.f32 $5.120000000e+02, v3  }
.Ltmp2:
0xd3: {  	v6 =	vmul.f32 v6, v8;
	v8 =	vadd.f32 $-1.000000000e+00, v18;
	v14 =	vadd.f32 $-1.000000000e+00, v14;
	(pc) =	sbr.rel @p0 .LBB2_6-.Ltmp2, $4  }
0xd4: {  	v5 =	vsub.f32 $1.000000000e+00, v5;
	v17 =	vmul.f32 $5.120000000e+02, v4;
	v15 =	vtrunc.f32 v20  }
0xd5: {  	v6 =	vsub.f32 $1.000000000e+00, v6;
	v8 =	vmul.f32 v8, v60;
	v63 =	vmul.f32 v14, v62  }
0xd6: {  	[tilespmem:v56+s18+$0x0] =	vst.idx.add.f32.msk vm7, v1;
	v2 =	vadd.f32 v19, v2;
	v18 =	vmul.f32 $5.120000000e+02, v5;
	v14 =	vtrunc.f32 v9  }
0xd7: {  	[tilespmem:v57+s18+$0x0] =	vst.idx.add.f32.msk vm15, v1;
	v19 =	vmul.f32 $5.120000000e+02, v6;
	v9 =	vsub.f32 $1.000000000e+00, v8;
	v8 =	vsub.f32 $1.000000000e+00, v63  }
0xd8: {  	v17 =	vtrunc.f32 v17;
	v18 =	vtrunc.f32 v18  }
0xd9: {  	v14 =	vcvt.f32.s32 v14;
	v16 =	vcvt.f32.s32 v16  }
0xda: {  	v15 =	vcvt.f32.s32 v15;
	v20 =	vmul.f32 $5.120000000e+02, v9  }
0xdb: {  	vm8 =	veq.s32 v12, $0x1;
	v21 =	vmul.f32 $5.120000000e+02, v8;
	v19 =	vtrunc.f32 v19  }
0xdc: {  	vm7 =	vgt.f32 v13, $0.0e+00;
	v17 =	vcvt.f32.s32 v17;
	v18 =	vcvt.f32.s32 v18  }
0xdd: {  	vm0 =	vlt.s32 v14, $0xFFF;
	vm6 =	vlt.s32 v16, $0xFFF;
	v19 =	vcvt.f32.s32 v19  }
0xde: {  	v12 =	vtrunc.f32 v20;
	v20 =	vtrunc.f32 v21;
	v14 =	vnsel vm0, $0xFFF, v14  }
0xdf: {  	vm0 =	vlt.s32 v15, $0xFFF;
	v16 =	vnsel vm6, $0xFFF, v16;
	vm6 =	vlt.s32 v17, $0xFFF  }
0xe0: {  	v12 =	vcvt.f32.s32 v12;
	v20 =	vcvt.f32.s32 v20;
	v15 =	vnsel vm0, $0xFFF, v15  }
0xe1: {  	vm0 =	vlt.s32 v18, $0xFFF;
	v17 =	vnsel vm6, $0xFFF, v17;
	vm6 =	vlt.s32 v19, $0xFFF  }
0xe2: {  	v13 =	vadd.s32 $0x1000, v16;
	v18 =	vnsel vm0, $0xFFF, v18;
	vm0 =	veq.s32 v11, $0x1  }
0xe3: {  	v11 =	vnsel vm6, $0xFFF, v19;
	v19 =	vadd.s32 $0x1000, v14;
	vm6 =	vlt.s32 v12, $0xFFF  }
0xe4: {  	v13 =	vsel vm5, v16, v13;
	v12 =	vnsel vm6, $0xFFF, v12;
	vm6 =	vlt.s32 v20, $0xFFF  }
0xe5: {  	v20 =	vnsel vm6, $0xFFF, v20;
	vm6 =	vgt.f32 v10, $0.0e+00;
	v10 =	vsel vm1, v14, v19  }
0xe6: {  	v14 =	vadd.s32 $0x1000, v15;
	v19 =	vadd.s32 $0x1000, v17;
	vm1 =	vgt.f32 v3, $0.0e+00  }
0xe7: {  	v3 =	vadd.s32 $0x1000, v18;
	v14 =	vsel vm2, v15, v14;
	vm2 =	vgt.f32 v4, $0.0e+00  }
0xe8: {  	v4 =	vadd.s32 $0x1000, v11;
	v15 =	vsel vm3, v17, v19;
	vm3 =	vgt.f32 v5, $0.0e+00  }
0xe9: {  	v5 =	vadd.s32 $0x1000, v12;
	v3 =	vsel vm4, v18, v3;
	vm4 =	vgt.f32 v6, $0.0e+00  }
0xea: {  	v4 =	vsel vm8, v11, v4;
	v5 =	vsel vm0, v12, v5;
	vm0 =	vgt.f32 v9, $0.0e+00;
	[tilespmem:v13+s18+$0x0] =	vst.idx.add.f32.msk vm7, v1  }
0xeb: {  	vm5 =	veq.s32 v7, $0x1;
	v6 =	vadd.s32 $0x1000, v20;
	[tilespmem:v10+s18+$0x0] =	vst.idx.add.f32.msk vm6, v1;
	vm6 =	vgt.f32 v8, $0.0e+00  }
0xec: {  	v6 =	vsel vm5, v20, v6;
	[tilespmem:v14+s18+$0x0] =	vst.idx.add.f32.msk vm1, v1  }
0xed: {  	[tilespmem:v15+s18+$0x0] =	vst.idx.add.f32.msk vm2, v1  }
0xee: {  	[tilespmem:v3+s18+$0x0] =	vst.idx.add.f32.msk vm3, v1  }
0xef: {  	[tilespmem:v4+s18+$0x0] =	vst.idx.add.f32.msk vm4, v1  }
0xf0: {  	[tilespmem:v5+s18+$0x0] =	vst.idx.add.f32.msk vm0, v1  }
0xf1: {  	s23 =	simm.s32 $0x0;
	[tilespmem:v6+s18+$0x0] =	vst.idx.add.f32.msk vm6, v1  }
0xf2: {  	[tilespmem:s14], [sflag:$0x2] =	stream.linear.gather [hbm4b:s9+s23], $0x4000, $0x38;
	[tilespmem:$0x12400] =	vst v63  }
0xf3: {  	_ = 	snop  }
0xf4: {  	[tilespmem:s15], [sflag:$0x4] =	stream.linear.gather [hbm4b:s10+s23], $0x4000, $0x38;
	[tilespmem:$0x12400] =	vst v63  }
0xf5: {  	_ =	swait.ge [sflag:s16], $0x4000  }
0xf6: {  	[sflag:s16] =	ssyncset.done $0x0  }
0xf7: {  	s24 =	simm.s32 $0x0;
	s26 =	simm.s32 $0x0;
	[sflag:s16] =	ssyncadd.s32 $0xFFFFC000  }
0xf8: {  	s24 =	sand.u32 $0x3000, s24;
	s25 =	sand.u32 $0xC00, s23;
	_ =	swait.ge [sflag:s17], $0x4000  }
0xf9: {  	s31 =	sand.u32 $0x380, s26;
	s24 =	sor.u32 s25, s24;
	[sflag:s17] =	ssyncset.done $0x0  }
0xfa: {  	s24 =	sor.u32 s31, s24;
	[sflag:s17] =	ssyncadd.s32 $0xFFFFC000  }
0xfb: {  	v3 =	vld [tilespmem:s24+$0x8000];
	_ =	sdelay $0x1  }
0xfc: {  	v4 =	vld [tilespmem:s24+$0x8010];
	_ =	sdelay $0x1  }
0xfd: {  	v5 =	vld [tilespmem:s24+$0x8020]  }
0xfe: {  	v7 =	vld [tilespmem:s24+$0x8030];
	v6 =	vcvt.s32.f32 v3  }
0xff: {  	v8 =	vld [tilespmem:s24+$0x0]  }
0x100: {  	v14 =	vld [tilespmem:s24+$0x8040];
	v9 =	vcvt.s32.f32 v4;
	v2 =	vadd.f32 v6, v2  }
0x101: {  	vm1 =	veq.s32 v3, $0x1;
	vm5 =	veq.s32 v4, $0x1;
	v3 =	vadd.f32 v6, v6  }
0x102: {  	v4 =	vcvt.s32.f32 v5;
	vm2 =	veq.s32 v5, $0x1;
	v6 =	vld [tilespmem:s24+$0x10];
	v2 =	vadd.f32 v9, v2  }
0x103: {  	v12 =	vld [tilespmem:s24+$0x8050];
	vm3 =	veq.s32 v7, $0x1;
	v9 =	vadd.f32 v9, v9;
	v3 =	vadd.f32 $-1.000000000e+00, v3  }
0x104: {  	v5 =	vld [tilespmem:s24+$0x20];
	v13 =	vadd.f32 v4, v4;
	v2 =	vadd.f32 v4, v2;
	v4 =	vcvt.s32.f32 v7  }
0x105: {  	v11 =	vld [tilespmem:s24+$0x8060];
	vm4 =	veq.s32 v14, $0x1;
	v3 =	vmul.f32 v3, v8;
	v8 =	vadd.f32 $-1.000000000e+00, v9  }
0x106: {  	v9 =	vld [tilespmem:s24+$0x30];
	v15 =	vadd.f32 v4, v4;
	v2 =	vadd.f32 v4, v2;
	v4 =	vcvt.s32.f32 v14  }
0x107: {  	v7 =	vld [tilespmem:s24+$0x8070];
	v10 =	vsub.f32 $1.000000000e+00, v3;
	v3 =	vmul.f32 v8, v6;
	v6 =	vadd.f32 $-1.000000000e+00, v13  }
0x108: {  	v8 =	vld [tilespmem:s24+$0x40];
	v16 =	vadd.f32 v4, v4;
	v2 =	vadd.f32 v4, v2;
	v4 =	vcvt.s32.f32 v12  }
0x109: {  	v13 =	vsub.f32 $1.000000000e+00, v3;
	v3 =	vmul.f32 v6, v5;
	v5 =	vadd.f32 $-1.000000000e+00, v15  }
0x10a: {  	v6 =	vld [tilespmem:s24+$0x50];
	v15 =	vadd.f32 v4, v4;
	v2 =	vadd.f32 v4, v2;
	v4 =	vcvt.s32.f32 v11  }
0x10b: {  	v3 =	vsub.f32 $1.000000000e+00, v3;
	v5 =	vmul.f32 v5, v9;
	v9 =	vadd.f32 $-1.000000000e+00, v16  }
0x10c: {  	v18 =	vcvt.s32.f32 v7;
	v16 =	vld [tilespmem:s24+$0x60];
	v17 =	vadd.f32 v4, v4;
	v2 =	vadd.f32 v4, v2  }
0x10d: {  	v19 =	vld [tilespmem:s24+$0x70];
	v4 =	vsub.f32 $1.000000000e+00, v5;
	v5 =	vmul.f32 v9, v8;
	v8 =	vadd.f32 $-1.000000000e+00, v15  }
0x10e: {  	v20 =	vmul.f32 $5.120000000e+02, v13;
	v9 =	vmul.f32 $5.120000000e+02, v10;
	v15 =	vadd.f32 v18, v18  }
0x10f: {  	v63 =	vmul.f32 $5.120000000e+02, v3;
	v6 =	vmul.f32 v8, v6;
	v8 =	vadd.f32 $-1.000000000e+00, v17  }
0x110: {  	v5 =	vsub.f32 $1.000000000e+00, v5;
	v15 =	vadd.f32 $-1.000000000e+00, v15;
	v17 =	vmul.f32 $5.120000000e+02, v4  }
0x111: {  	v2 =	vadd.f32 v18, v2;
	v14 =	vtrunc.f32 v9;
	v8 =	vmul.f32 v8, v16  }
0x112: {  	v6 =	vsub.f32 $1.000000000e+00, v6;
	v18 =	vmul.f32 $5.120000000e+02, v5;
	v22 =	vmul.f32 v15, v19  }
0x113: {  	v16 =	vtrunc.f32 v20;
	v15 =	vtrunc.f32 v63  }
0x114: {  	s24 =	simm.s32 $0x0;
	v19 =	vmul.f32 $5.120000000e+02, v6;
	v9 =	vsub.f32 $1.000000000e+00, v8;
	v8 =	vsub.f32 $1.000000000e+00, v22  }
.LBB2_8:
0x115: {  	vm7 =	veq.s32 v12, $0x1;
	vm9 =	veq.s32 v7, $0x1;
	v7 =	vcvt.f32.s32 v14  }
0x116: {  	vm0 =	vgt.f32 v13, $0.0e+00;
	v13 =	vcvt.f32.s32 v15;
	v17 =	vtrunc.f32 v17  }
0x117: {  	vm8 =	veq.s32 v11, $0x1;
	v12 =	vmul.f32 $5.120000000e+02, v9;
	v18 =	vtrunc.f32 v18  }
0x118: {  	vm6 =	vgt.f32 v10, $0.0e+00;
	v11 =	vmul.f32 $5.120000000e+02, v8;
	v19 =	vtrunc.f32 v19  }
0x119: {  	vm10 =	vlt.s32 v7, $0xFFF;
	v14 =	vcvt.f32.s32 v17;
	v15 =	vcvt.f32.s32 v18  }
0x11a: {  	vm12 =	vlt.s32 v13, $0xFFF;
	v12 =	vtrunc.f32 v12;
	v10 =	vtrunc.f32 v11  }
0x11b: {  	v11 =	vimm.s32 $0x0;
	v7 =	vnsel vm10, $0xFFF, v7;
	v13 =	vnsel vm12, $0xFFF, v13  }
0x11c: {  	vm12 =	vgt.f32 v3, $0.0e+00;
	v11 =	vsel vm0, $0xFFFFFFFF, v11;
	v12 =	vcvt.f32.s32 v12  }
0x11d: {  	s24 =	sadd.s32 $0x8, s24;
	vm13 =	vlt.s32 v14, $0xFFF;
	v10 =	vcvt.f32.s32 v10;
	vm14 =	vlt.s32 v15, $0xFFF  }
0x11e: {  	s23 =	sadd.s32 $0x400, s23;
	s25 =	sshll.u32 s24, $0x4;
	v18 =	vadd.s32 $0x1000, v7;
	v20 =	vadd.s32 $0x1000, v13;
	[tilespmem:$0x1FFD0] =	vst v11;
	v11 =	vcvt.f32.s32 v16  }
0x11f: {  	s26 =	sand.u32 $0xC00, s23;
	s28 =	sshll.u32 s24, $0x2;
	s25 =	sand.u32 $0x3000, s25;
	v16 =	vcvt.f32.s32 v19;
	v14 =	vnsel vm13, $0xFFF, v14;
	v15 =	vnsel vm14, $0xFFF, v15  }
0x120: {  	s31 =	sand.u32 $0x380, s28;
	s25 =	sor.u32 s26, s25;
	v18 =	vsel vm1, v7, v18;
	v20 =	vsel vm2, v13, v20;
	vm13 =	vgt.f32 v4, $0.0e+00  }
0x121: {  	s25 =	sor.u32 s31, s25;
	vm14 =	vgt.f32 v6, $0.0e+00;
	vm0 =	vlt.s32 v12, $0xFFF;
	vm10 =	vlt.s32 v10, $0xFFF  }
0x122: {  	v17 =	vld [tilespmem:s25+$0x8000];
	v22 =	vadd.s32 $0x1000, v14;
	v23 =	vadd.s32 $0x1000, v15;
	vm11 =	vlt.s32 v11, $0xFFF  }
0x123: {  	v25 =	vld [tilespmem:s25+$0x8010];
	vm15 =	vlt.s32 v16, $0xFFF;
	v12 =	vnsel vm0, $0xFFF, v12;
	v10 =	vnsel vm10, $0xFFF, v10  }
0x124: {  	v21 =	vld [tilespmem:s25+$0x0];
	v14 =	vsel vm3, v14, v22;
	v15 =	vsel vm4, v15, v23;
	v11 =	vnsel vm11, $0xFFF, v11  }
0x125: {  	v27 =	vld [tilespmem:s25+$0x10];
	vm4 =	vgt.f32 v5, $0.0e+00;
	v16 =	vnsel vm15, $0xFFF, v16;
	v19 =	vadd.s32 $0x1000, v11  }
0x126: {  	v7 =	vadd.s32 $0x1000, v12;
	v26 =	vadd.s32 $0x1000, v10;
	v19 =	vsel vm5, v11, v19;
	v11 =	vld [tilespmem:s25+$0x8020]  }
0x127: {  	v56 =	vsel vm8, v12, v7;
	v57 =	vsel vm9, v10, v26;
	v10 =	vld [tilespmem:s25+$0x8030];
	v7 =	vcvt.s32.f32 v17  }
0x128: {  	vm15 =	vgt.f32 v8, $0.0e+00;
	v24 =	vadd.s32 $0x1000, v16;
	v4 =	vcvt.s32.f32 v25;
	[tilespmem:v18+s18+$0x0] =	vst.idx.add.f32.msk vm6, v1  }
0x129: {  	v16 =	vsel vm7, v16, v24;
	vm1 =	veq.s32 v17, $0x1;
	v18 =	vld [tilespmem:$0x1FFD0];
	v2 =	vadd.f32 v7, v2  }
0x12a: {  	v58 =	vld [tilespmem:s25+$0x8040];
	vm5 =	veq.s32 v25, $0x1;
	v3 =	vadd.f32 v7, v7;
	v6 =	vadd.f32 v4, v4  }
0x12b: {  	v60 =	vld [tilespmem:s25+$0x60];
	vm7 =	vgt.f32 v9, $0.0e+00;
	v2 =	vadd.f32 v4, v2;
	v4 =	vcvt.s32.f32 v11  }
0x12c: {  	v12 =	vld [tilespmem:s25+$0x8050];
	v3 =	vadd.f32 $-1.000000000e+00, v3;
	v6 =	vadd.f32 $-1.000000000e+00, v6;
	vm3 =	veq.s32 v10, $0x1  }
0x12d: {  	v17 =	vld [tilespmem:s25+$0x20];
	v7 =	vadd.f32 v4, v4;
	v2 =	vadd.f32 v4, v2;
	v4 =	vcvt.s32.f32 v10  }
0x12e: {  	vm2 =	veq.s32 v11, $0x1;
	v11 =	vld [tilespmem:s25+$0x8060];
	vm0 =	vnez.u8 v18;
	v3 =	vmul.f32 v3, v21  }
0x12f: {  	v5 =	vld [tilespmem:s25+$0x30];
	v59 =	vadd.f32 v4, v4;
	v2 =	vadd.f32 v4, v2;
	v4 =	vcvt.s32.f32 v58  }
0x130: {  	v10 =	vsub.f32 $1.000000000e+00, v3;
	v3 =	vmul.f32 v6, v27;
	v6 =	vadd.f32 $-1.000000000e+00, v7;
	v7 =	vld [tilespmem:s25+$0x8070]  }
0x131: {  	v62 =	vld [tilespmem:s25+$0x70];
	v61 =	vadd.f32 v4, v4;
	v2 =	vadd.f32 v4, v2;
	v4 =	vcvt.s32.f32 v12  }
0x132: {  	v9 =	vld [tilespmem:s25+$0x40];
	v13 =	vsub.f32 $1.000000000e+00, v3;
	v3 =	vmul.f32 v6, v17;
	v6 =	vadd.f32 $-1.000000000e+00, v59  }
0x133: {  	v8 =	vld [tilespmem:s25+$0x50];
	v17 =	vadd.f32 v4, v4;
	v2 =	vadd.f32 v4, v2;
	v4 =	vcvt.s32.f32 v11  }
0x134: {  	[tilespmem:v15+s18+$0x0] =	vst.idx.add.f32.msk vm4, v1;
	v15 =	vmul.f32 $5.120000000e+02, v13;
	v3 =	vsub.f32 $1.000000000e+00, v3;
	v5 =	vmul.f32 v6, v5  }
0x135: {  	[tilespmem:v19+s18+$0x0] =	vst.idx.add.f32.msk vm0, v1;
	v6 =	vadd.f32 $-1.000000000e+00, v61;
	v19 =	vcvt.s32.f32 v7;
	v18 =	vadd.f32 v4, v4  }
0x136: {  	[tilespmem:v16+s18+$0x0] =	vst.idx.add.f32.msk vm14, v1;
	v16 =	vtrunc.f32 v15;
	v2 =	vadd.f32 v4, v2;
	v4 =	vsub.f32 $1.000000000e+00, v5  }
0x137: {  	[tilespmem:v14+s18+$0x0] =	vst.idx.add.f32.msk vm13, v1;
	v5 =	vmul.f32 v6, v9;
	v6 =	vadd.f32 $-1.000000000e+00, v17;
	v14 =	vadd.f32 v19, v19  }
0x138: {  	p0 =	slt.u32 s24, $0x3F8;
	[tilespmem:v20+s18+$0x0] =	vst.idx.add.f32.msk vm12, v1;
	vm4 =	veq.s32 v58, $0x1;
	v9 =	vmul.f32 $5.120000000e+02, v10;
	v20 =	vmul.f32 $5.120000000e+02, v3  }
.Ltmp3:
0x139: {  	v6 =	vmul.f32 v6, v8;
	v8 =	vadd.f32 $-1.000000000e+00, v18;
	v14 =	vadd.f32 $-1.000000000e+00, v14;
	(pc) =	sbr.rel @p0 .LBB2_8-.Ltmp3, $4  }
0x13a: {  	v5 =	vsub.f32 $1.000000000e+00, v5;
	v17 =	vmul.f32 $5.120000000e+02, v4;
	v15 =	vtrunc.f32 v20  }
0x13b: {  	v6 =	vsub.f32 $1.000000000e+00, v6;
	v8 =	vmul.f32 v8, v60;
	v63 =	vmul.f32 v14, v62  }
0x13c: {  	[tilespmem:v56+s18+$0x0] =	vst.idx.add.f32.msk vm7, v1;
	v2 =	vadd.f32 v19, v2;
	v18 =	vmul.f32 $5.120000000e+02, v5;
	v14 =	vtrunc.f32 v9  }
0x13d: {  	[tilespmem:v57+s18+$0x0] =	vst.idx.add.f32.msk vm15, v1;
	v19 =	vmul.f32 $5.120000000e+02, v6;
	v9 =	vsub.f32 $1.000000000e+00, v8;
	v8 =	vsub.f32 $1.000000000e+00, v63  }
0x13e: {  	v17 =	vtrunc.f32 v17;
	v18 =	vtrunc.f32 v18  }
0x13f: {  	v14 =	vcvt.f32.s32 v14;
	v16 =	vcvt.f32.s32 v16  }
0x140: {  	v15 =	vcvt.f32.s32 v15;
	v20 =	vmul.f32 $5.120000000e+02, v9  }
0x141: {  	vm8 =	veq.s32 v12, $0x1;
	v21 =	vmul.f32 $5.120000000e+02, v8;
	v19 =	vtrunc.f32 v19  }
0x142: {  	vm7 =	vgt.f32 v13, $0.0e+00;
	v17 =	vcvt.f32.s32 v17;
	v18 =	vcvt.f32.s32 v18  }
0x143: {  	vm0 =	vlt.s32 v14, $0xFFF;
	vm6 =	vlt.s32 v16, $0xFFF;
	v19 =	vcvt.f32.s32 v19  }
0x144: {  	v12 =	vtrunc.f32 v20;
	v20 =	vtrunc.f32 v21;
	v14 =	vnsel vm0, $0xFFF, v14  }
0x145: {  	vm0 =	vlt.s32 v15, $0xFFF;
	v16 =	vnsel vm6, $0xFFF, v16;
	vm6 =	vlt.s32 v17, $0xFFF  }
0x146: {  	v12 =	vcvt.f32.s32 v12;
	v20 =	vcvt.f32.s32 v20;
	v15 =	vnsel vm0, $0xFFF, v15  }
0x147: {  	vm0 =	vlt.s32 v18, $0xFFF;
	v17 =	vnsel vm6, $0xFFF, v17;
	vm6 =	vlt.s32 v19, $0xFFF  }
0x148: {  	v13 =	vadd.s32 $0x1000, v16;
	v18 =	vnsel vm0, $0xFFF, v18;
	vm0 =	veq.s32 v11, $0x1  }
0x149: {  	v11 =	vnsel vm6, $0xFFF, v19;
	v19 =	vadd.s32 $0x1000, v14;
	vm6 =	vlt.s32 v12, $0xFFF  }
0x14a: {  	v13 =	vsel vm5, v16, v13;
	v12 =	vnsel vm6, $0xFFF, v12;
	vm6 =	vlt.s32 v20, $0xFFF  }
0x14b: {  	v20 =	vnsel vm6, $0xFFF, v20;
	vm6 =	vgt.f32 v10, $0.0e+00;
	v10 =	vsel vm1, v14, v19  }
0x14c: {  	v14 =	vadd.s32 $0x1000, v15;
	v19 =	vadd.s32 $0x1000, v17;
	vm1 =	vgt.f32 v3, $0.0e+00  }
0x14d: {  	v3 =	vadd.s32 $0x1000, v18;
	v14 =	vsel vm2, v15, v14;
	vm2 =	vgt.f32 v4, $0.0e+00  }
0x14e: {  	v4 =	vadd.s32 $0x1000, v11;
	v15 =	vsel vm3, v17, v19;
	vm3 =	vgt.f32 v5, $0.0e+00  }
0x14f: {  	v5 =	vadd.s32 $0x1000, v12;
	v3 =	vsel vm4, v18, v3;
	vm4 =	vgt.f32 v6, $0.0e+00  }
0x150: {  	v4 =	vsel vm8, v11, v4;
	v5 =	vsel vm0, v12, v5;
	vm0 =	vgt.f32 v9, $0.0e+00;
	[tilespmem:v13+s18+$0x0] =	vst.idx.add.f32.msk vm7, v1  }
0x151: {  	vm5 =	veq.s32 v7, $0x1;
	v6 =	vadd.s32 $0x1000, v20;
	[tilespmem:v10+s18+$0x0] =	vst.idx.add.f32.msk vm6, v1;
	vm6 =	vgt.f32 v8, $0.0e+00  }
0x152: {  	v6 =	vsel vm5, v20, v6;
	[tilespmem:v14+s18+$0x0] =	vst.idx.add.f32.msk vm1, v1  }
0x153: {  	[tilespmem:v15+s18+$0x0] =	vst.idx.add.f32.msk vm2, v1  }
0x154: {  	[tilespmem:v3+s18+$0x0] =	vst.idx.add.f32.msk vm3, v1  }
0x155: {  	[tilespmem:v4+s18+$0x0] =	vst.idx.add.f32.msk vm4, v1  }
0x156: {  	[tilespmem:v5+s18+$0x0] =	vst.idx.add.f32.msk vm0, v1  }
0x157: {  	[tilespmem:v6+s18+$0x0] =	vst.idx.add.f32.msk vm6, v1  }
0x158: {  	_ =	swait.ge [sflag:s19], $0x4000  }
0x159: {  	s23 =	simm.s32 $0x0;
	[sflag:s19] =	ssyncset.done $0x0  }
0x15a: {  	s24 =	simm.s32 $0x0;
	s26 =	simm.s32 $0x0;
	[sflag:s19] =	ssyncadd.s32 $0xFFFFC000  }
0x15b: {  	s24 =	sand.u32 $0x3000, s24;
	s25 =	sand.u32 $0xC00, s23;
	_ =	swait.ge [sflag:s20], $0x4000  }
0x15c: {  	s31 =	sand.u32 $0x380, s26;
	s24 =	sor.u32 s25, s24;
	[sflag:s20] =	ssyncset.done $0x0  }
0x15d: {  	s24 =	sor.u32 s31, s24;
	[sflag:s20] =	ssyncadd.s32 $0xFFFFC000  }
0x15e: {  	v3 =	vld [tilespmem:s24+$0xC000];
	_ =	sdelay $0x1  }
0x15f: {  	v4 =	vld [tilespmem:s24+$0xC010];
	_ =	sdelay $0x1  }
0x160: {  	v5 =	vld [tilespmem:s24+$0xC020]  }
0x161: {  	v7 =	vld [tilespmem:s24+$0xC030];
	v6 =	vcvt.s32.f32 v3  }
0x162: {  	v8 =	vld [tilespmem:s24+$0x4000]  }
0x163: {  	v11 =	vld [tilespmem:s24+$0xC060];
	v9 =	vcvt.s32.f32 v4;
	v2 =	vadd.f32 v6, v2  }
0x164: {  	v14 =	vld [tilespmem:s24+$0xC040];
	vm1 =	veq.s32 v3, $0x1;
	vm5 =	veq.s32 v4, $0x1;
	v3 =	vadd.f32 v6, v6  }
0x165: {  	v4 =	vcvt.s32.f32 v5;
	vm2 =	veq.s32 v5, $0x1;
	v6 =	vld [tilespmem:s24+$0x4010];
	v2 =	vadd.f32 v9, v2  }
0x166: {  	v12 =	vld [tilespmem:s24+$0xC050];
	vm3 =	veq.s32 v7, $0x1;
	v9 =	vadd.f32 v9, v9;
	v3 =	vadd.f32 $-1.000000000e+00, v3  }
0x167: {  	v5 =	vld [tilespmem:s24+$0x4020];
	v13 =	vadd.f32 v4, v4;
	v2 =	vadd.f32 v4, v2;
	v4 =	vcvt.s32.f32 v7  }
0x168: {  	v17 =	vcvt.s32.f32 v11;
	v3 =	vmul.f32 v3, v8;
	v8 =	vadd.f32 $-1.000000000e+00, v9;
	v7 =	vld [tilespmem:s24+$0xC070]  }
0x169: {  	v9 =	vld [tilespmem:s24+$0x4030];
	v15 =	vadd.f32 v4, v4;
	v2 =	vadd.f32 v4, v2;
	v4 =	vcvt.s32.f32 v14  }
0x16a: {  	v10 =	vsub.f32 $1.000000000e+00, v3;
	v3 =	vmul.f32 v8, v6;
	v6 =	vadd.f32 $-1.000000000e+00, v13  }
0x16b: {  	v8 =	vld [tilespmem:s24+$0x4040];
	v16 =	vadd.f32 v4, v4;
	v2 =	vadd.f32 v4, v2;
	v4 =	vcvt.s32.f32 v12  }
0x16c: {  	v13 =	vsub.f32 $1.000000000e+00, v3;
	v3 =	vmul.f32 v6, v5;
	v5 =	vadd.f32 $-1.000000000e+00, v15  }
0x16d: {  	v6 =	vld [tilespmem:s24+$0x4050];
	v18 =	vcvt.s32.f32 v7;
	v15 =	vadd.f32 v4, v4;
	v4 =	vadd.f32 v4, v2  }
0x16e: {  	v2 =	vsub.f32 $1.000000000e+00, v3;
	v3 =	vmul.f32 v5, v9;
	v5 =	vadd.f32 $-1.000000000e+00, v16  }
0x16f: {  	v19 =	vld [tilespmem:s24+$0x4070];
	vm4 =	veq.s32 v14, $0x1;
	v16 =	vadd.f32 v17, v17;
	v20 =	vadd.f32 v18, v18  }
0x170: {  	v9 =	vld [tilespmem:s24+$0x4060];
	v17 =	vadd.f32 v17, v4;
	v5 =	vmul.f32 v5, v8;
	v8 =	vadd.f32 $-1.000000000e+00, v15  }
0x171: {  	v4 =	vsub.f32 $1.000000000e+00, v3;
	v15 =	vmul.f32 $5.120000000e+02, v10;
	v63 =	vmul.f32 $5.120000000e+02, v2  }
0x172: {  	v20 =	vadd.f32 $-1.000000000e+00, v20;
	v3 =	vadd.f32 v18, v17;
	v6 =	vmul.f32 v8, v6  }
0x173: {  	v8 =	vadd.f32 $-1.000000000e+00, v16;
	v16 =	vmul.f32 $5.120000000e+02, v13;
	v17 =	vmul.f32 $5.120000000e+02, v4  }
0x174: {  	v5 =	vsub.f32 $1.000000000e+00, v5;
	v14 =	vtrunc.f32 v15;
	v15 =	vtrunc.f32 v63  }
0x175: {  	v20 =	vmul.f32 v20, v19;
	v6 =	vsub.f32 $1.000000000e+00, v6;
	v8 =	vmul.f32 v8, v9  }
0x176: {  	v18 =	vmul.f32 $5.120000000e+02, v5;
	v16 =	vtrunc.f32 v16  }
0x177: {  	s24 =	simm.s32 $0x0;
	v19 =	vmul.f32 $5.120000000e+02, v6;
	v9 =	vsub.f32 $1.000000000e+00, v8;
	v8 =	vsub.f32 $1.000000000e+00, v20  }
.LBB2_10:
0x178: {  	vm7 =	veq.s32 v12, $0x1;
	vm9 =	veq.s32 v7, $0x1;
	v7 =	vcvt.f32.s32 v14  }
0x179: {  	vm0 =	vgt.f32 v13, $0.0e+00;
	v13 =	vcvt.f32.s32 v15;
	v17 =	vtrunc.f32 v17  }
0x17a: {  	vm8 =	veq.s32 v11, $0x1;
	v12 =	vmul.f32 $5.120000000e+02, v9;
	v18 =	vtrunc.f32 v18  }
0x17b: {  	vm6 =	vgt.f32 v10, $0.0e+00;
	v11 =	vmul.f32 $5.120000000e+02, v8;
	v19 =	vtrunc.f32 v19  }
0x17c: {  	vm10 =	vlt.s32 v7, $0xFFF;
	v14 =	vcvt.f32.s32 v17;
	v15 =	vcvt.f32.s32 v18  }
0x17d: {  	vm12 =	vlt.s32 v13, $0xFFF;
	v12 =	vtrunc.f32 v12;
	v10 =	vtrunc.f32 v11  }
0x17e: {  	v11 =	vimm.s32 $0x0;
	v7 =	vnsel vm10, $0xFFF, v7;
	v13 =	vnsel vm12, $0xFFF, v13  }
0x17f: {  	vm12 =	vgt.f32 v2, $0.0e+00;
	v11 =	vsel vm0, $0xFFFFFFFF, v11;
	v12 =	vcvt.f32.s32 v12  }
0x180: {  	s24 =	sadd.s32 $0x8, s24;
	vm13 =	vlt.s32 v14, $0xFFF;
	v10 =	vcvt.f32.s32 v10;
	vm14 =	vlt.s32 v15, $0xFFF  }
0x181: {  	s23 =	sadd.s32 $0x400, s23;
	s25 =	sshll.u32 s24, $0x4;
	v18 =	vadd.s32 $0x1000, v7;
	v20 =	vadd.s32 $0x1000, v13;
	[tilespmem:$0x1FFC0] =	vst v11;
	v11 =	vcvt.f32.s32 v16  }
0x182: {  	s26 =	sand.u32 $0xC00, s23;
	s28 =	sshll.u32 s24, $0x2;
	s25 =	sand.u32 $0x3000, s25;
	v16 =	vcvt.f32.s32 v19;
	v14 =	vnsel vm13, $0xFFF, v14;
	v15 =	vnsel vm14, $0xFFF, v15  }
0x183: {  	s31 =	sand.u32 $0x380, s28;
	s25 =	sor.u32 s26, s25;
	v18 =	vsel vm1, v7, v18;
	v20 =	vsel vm2, v13, v20;
	vm13 =	vgt.f32 v4, $0.0e+00  }
0x184: {  	s25 =	sor.u32 s31, s25;
	vm14 =	vgt.f32 v6, $0.0e+00;
	vm0 =	vlt.s32 v12, $0xFFF;
	vm10 =	vlt.s32 v10, $0xFFF  }
0x185: {  	v17 =	vld [tilespmem:s25+$0xC000];
	v22 =	vadd.s32 $0x1000, v14;
	v23 =	vadd.s32 $0x1000, v15;
	vm11 =	vlt.s32 v11, $0xFFF  }
0x186: {  	v25 =	vld [tilespmem:s25+$0xC010];
	vm15 =	vlt.s32 v16, $0xFFF;
	v12 =	vnsel vm0, $0xFFF, v12;
	v10 =	vnsel vm10, $0xFFF, v10  }
0x187: {  	v21 =	vld [tilespmem:s25+$0x4000];
	v14 =	vsel vm3, v14, v22;
	v15 =	vsel vm4, v15, v23;
	v11 =	vnsel vm11, $0xFFF, v11  }
0x188: {  	v27 =	vld [tilespmem:s25+$0x4010];
	vm4 =	vgt.f32 v5, $0.0e+00;
	v16 =	vnsel vm15, $0xFFF, v16;
	v19 =	vadd.s32 $0x1000, v11  }
0x189: {  	v7 =	vadd.s32 $0x1000, v12;
	v26 =	vadd.s32 $0x1000, v10;
	v19 =	vsel vm5, v11, v19;
	v11 =	vld [tilespmem:s25+$0xC020]  }
0x18a: {  	v56 =	vsel vm8, v12, v7;
	v57 =	vsel vm9, v10, v26;
	v10 =	vld [tilespmem:s25+$0xC030];
	v7 =	vcvt.s32.f32 v17  }
0x18b: {  	vm15 =	vgt.f32 v8, $0.0e+00;
	v24 =	vadd.s32 $0x1000, v16;
	v4 =	vcvt.s32.f32 v25;
	[tilespmem:v18+s18+$0x0] =	vst.idx.add.f32.msk vm6, v1  }
0x18c: {  	v16 =	vsel vm7, v16, v24;
	vm1 =	veq.s32 v17, $0x1;
	v18 =	vld [tilespmem:$0x1FFC0];
	v3 =	vadd.f32 v7, v3  }
0x18d: {  	v58 =	vld [tilespmem:s25+$0xC040];
	vm5 =	veq.s32 v25, $0x1;
	v2 =	vadd.f32 v7, v7;
	v6 =	vadd.f32 v4, v4  }
0x18e: {  	v60 =	vld [tilespmem:s25+$0x4060];
	vm7 =	vgt.f32 v9, $0.0e+00;
	v3 =	vadd.f32 v4, v3;
	v4 =	vcvt.s32.f32 v11  }
0x18f: {  	v12 =	vld [tilespmem:s25+$0xC050];
	v2 =	vadd.f32 $-1.000000000e+00, v2;
	v6 =	vadd.f32 $-1.000000000e+00, v6;
	vm3 =	veq.s32 v10, $0x1  }
0x190: {  	v17 =	vld [tilespmem:s25+$0x4020];
	v7 =	vadd.f32 v4, v4;
	v3 =	vadd.f32 v4, v3;
	v4 =	vcvt.s32.f32 v10  }
0x191: {  	vm2 =	veq.s32 v11, $0x1;
	v11 =	vld [tilespmem:s25+$0xC060];
	vm0 =	vnez.u8 v18;
	v2 =	vmul.f32 v2, v21  }
0x192: {  	v5 =	vld [tilespmem:s25+$0x4030];
	v59 =	vadd.f32 v4, v4;
	v3 =	vadd.f32 v4, v3;
	v4 =	vcvt.s32.f32 v58  }
0x193: {  	v10 =	vsub.f32 $1.000000000e+00, v2;
	v2 =	vmul.f32 v6, v27;
	v6 =	vadd.f32 $-1.000000000e+00, v7;
	v7 =	vld [tilespmem:s25+$0xC070]  }
0x194: {  	v62 =	vld [tilespmem:s25+$0x4070];
	v61 =	vadd.f32 v4, v4;
	v3 =	vadd.f32 v4, v3;
	v4 =	vcvt.s32.f32 v12  }
0x195: {  	v9 =	vld [tilespmem:s25+$0x4040];
	v13 =	vsub.f32 $1.000000000e+00, v2;
	v2 =	vmul.f32 v6, v17;
	v6 =	vadd.f32 $-1.000000000e+00, v59  }
0x196: {  	v8 =	vld [tilespmem:s25+$0x4050];
	v17 =	vadd.f32 v4, v4;
	v3 =	vadd.f32 v4, v3;
	v4 =	vcvt.s32.f32 v11  }
0x197: {  	[tilespmem:v15+s18+$0x0] =	vst.idx.add.f32.msk vm4, v1;
	v15 =	vmul.f32 $5.120000000e+02, v13;
	v2 =	vsub.f32 $1.000000000e+00, v2;
	v5 =	vmul.f32 v6, v5  }
0x198: {  	[tilespmem:v19+s18+$0x0] =	vst.idx.add.f32.msk vm0, v1;
	v6 =	vadd.f32 $-1.000000000e+00, v61;
	v19 =	vcvt.s32.f32 v7;
	v18 =	vadd.f32 v4, v4  }
0x199: {  	[tilespmem:v16+s18+$0x0] =	vst.idx.add.f32.msk vm14, v1;
	v16 =	vtrunc.f32 v15;
	v3 =	vadd.f32 v4, v3;
	v4 =	vsub.f32 $1.000000000e+00, v5  }
0x19a: {  	[tilespmem:v14+s18+$0x0] =	vst.idx.add.f32.msk vm13, v1;
	v5 =	vmul.f32 v6, v9;
	v6 =	vadd.f32 $-1.000000000e+00, v17;
	v14 =	vadd.f32 v19, v19  }
0x19b: {  	p0 =	slt.u32 s24, $0x3F8;
	[tilespmem:v20+s18+$0x0] =	vst.idx.add.f32.msk vm12, v1;
	vm4 =	veq.s32 v58, $0x1;
	v9 =	vmul.f32 $5.120000000e+02, v10;
	v20 =	vmul.f32 $5.120000000e+02, v2  }
.Ltmp4:
0x19c: {  	v6 =	vmul.f32 v6, v8;
	v8 =	vadd.f32 $-1.000000000e+00, v18;
	v14 =	vadd.f32 $-1.000000000e+00, v14;
	(pc) =	sbr.rel @p0 .LBB2_10-.Ltmp4, $4  }
0x19d: {  	v5 =	vsub.f32 $1.000000000e+00, v5;
	v17 =	vmul.f32 $5.120000000e+02, v4;
	v15 =	vtrunc.f32 v20  }
0x19e: {  	v6 =	vsub.f32 $1.000000000e+00, v6;
	v8 =	vmul.f32 v8, v60;
	v63 =	vmul.f32 v14, v62  }
0x19f: {  	[tilespmem:v56+s18+$0x0] =	vst.idx.add.f32.msk vm7, v1;
	v3 =	vadd.f32 v19, v3;
	v18 =	vmul.f32 $5.120000000e+02, v5;
	v14 =	vtrunc.f32 v9  }
0x1a0: {  	[tilespmem:v57+s18+$0x0] =	vst.idx.add.f32.msk vm15, v1;
	v19 =	vmul.f32 $5.120000000e+02, v6;
	v9 =	vsub.f32 $1.000000000e+00, v8;
	v8 =	vsub.f32 $1.000000000e+00, v63  }
0x1a1: {  	v17 =	vtrunc.f32 v17  }
0x1a2: {  	v18 =	vtrunc.f32 v18;
	v14 =	vcvt.f32.s32 v14  }
0x1a3: {  	vm8 =	veq.s32 v12, $0x1;
	v16 =	vcvt.f32.s32 v16;
	v15 =	vcvt.f32.s32 v15  }
0x1a4: {  	vm15 =	vgt.f32 v10, $0.0e+00;
	v20 =	vmul.f32 $5.120000000e+02, v9;
	v21 =	vmul.f32 $5.120000000e+02, v8  }
0x1a5: {  	vm7 =	vgt.f32 v13, $0.0e+00;
	v19 =	vtrunc.f32 v19;
	v17 =	vcvt.f32.s32 v17  }
0x1a6: {  	v18 =	vcvt.f32.s32 v18;
	vm0 =	vlt.s32 v14, $0xFFF;
	vm6 =	vlt.s32 v16, $0xFFF  }
0x1a7: {  	v19 =	vcvt.f32.s32 v19;
	vm9 =	vlt.s32 v15, $0xFFF;
	v52 =	vtrunc.f32 v20  }
0x1a8: {  	v53 =	vtrunc.f32 v21;
	v14 =	vnsel vm0, $0xFFF, v14;
	v16 =	vnsel vm6, $0xFFF, v16  }
0x1a9: {  	vm10 =	vlt.s32 v17, $0xFFF;
	v15 =	vnsel vm9, $0xFFF, v15;
	vm11 =	vlt.s32 v18, $0xFFF  }
0x1aa: {  	vm0 =	veq.s32 v11, $0x1;
	vm9 =	vgt.f32 v2, $0.0e+00;
	v12 =	vcvt.f32.s32 v52  }
0x1ab: {  	v20 =	vcvt.f32.s32 v53;
	v17 =	vnsel vm10, $0xFFF, v17;
	vm12 =	vlt.s32 v19, $0xFFF  }
0x1ac: {  	v18 =	vnsel vm11, $0xFFF, v18;
	v55 =	vadd.s32 $0x1000, v14;
	v57 =	vadd.s32 $0x1000, v16  }
0x1ad: {  	v58 =	vadd.s32 $0x1000, v15;
	vm10 =	vgt.f32 v4, $0.0e+00;
	vm11 =	vgt.f32 v5, $0.0e+00  }
0x1ae: {  	v54 =	vnsel vm12, $0xFFF, v19;
	v56 =	vsel vm1, v14, v55;
	v59 =	vadd.s32 $0x1000, v17  }
0x1af: {  	v13 =	vsel vm5, v16, v57;
	v2 =	vadd.s32 $0x1000, v18;
	v14 =	vsel vm2, v15, v58  }
0x1b0: {  	vm12 =	vgt.f32 v6, $0.0e+00;
	vm13 =	vlt.s32 v12, $0xFFF;
	vm14 =	vlt.s32 v20, $0xFFF  }
0x1b1: {  	v60 =	vadd.s32 $0x1000, v54;
	v61 =	vsel vm3, v17, v59;
	v2 =	vsel vm4, v18, v2  }
0x1b2: {  	v12 =	vnsel vm13, $0xFFF, v12;
	v20 =	vnsel vm14, $0xFFF, v20;
	v4 =	vsel vm8, v54, v60  }
0x1b3: {  	vm13 =	vgt.f32 v9, $0.0e+00;
	vm14 =	veq.s32 v7, $0x1;
	v62 =	vadd.s32 $0x1000, v12;
	[tilespmem:v56+s18+$0x0] =	vst.idx.add.f32.msk vm15, v1  }
0x1b4: {  	v63 =	vadd.s32 $0x1000, v20;
	v5 =	vsel vm0, v12, v62;
	[tilespmem:v13+s18+$0x0] =	vst.idx.add.f32.msk vm7, v1;
	vm15 =	vgt.f32 v8, $0.0e+00  }
0x1b5: {  	v6 =	vsel vm14, v20, v63;
	[tilespmem:v14+s18+$0x0] =	vst.idx.add.f32.msk vm9, v1  }
0x1b6: {  	[tilespmem:v61+s18+$0x0] =	vst.idx.add.f32.msk vm10, v1  }
0x1b7: {  	[tilespmem:v2+s18+$0x0] =	vst.idx.add.f32.msk vm11, v1  }
0x1b8: {  	[tilespmem:v4+s18+$0x0] =	vst.idx.add.f32.msk vm12, v1  }
0x1b9: {  	s22 =	sadd.s32 $0x1, s22;
	[tilespmem:v5+s18+$0x0] =	vst.idx.add.f32.msk vm13, v1  }
0x1ba: {  	p0 =	sne.s32 s22, s12;
	[tilespmem:v6+s18+$0x0] =	vst.idx.add.f32.msk vm15, v1  }
.Ltmp5:
0x1bb: {  	[tilespmem:$0x12000] =	vst v3;
	(pc) =	sbr.rel @p0 .LBB2_1-.Ltmp5, $4  }
0x1bc: {  	[hbm4b:s11+s2] =	stream.linear.scatter [tilespmem:s18], [sflag:$0x5], $0x2080, $0x38;
	[tilespmem:$0x12400] =	vst v63  }
0x1bd: {  	_ =	swait.ge [sflag:s21], $0x2080  }
0x1be: {  	[sflag:s21] =	ssyncset.done $0x0  }
0x1bf: {  	[sflag:s21] =	ssyncadd.s32 $0xFFFFDF80  }
0x1c0: {  	_ =	sfence.sel $0x180000  }
0x1c1: {  	[bflag:$0x0] =	sbarrier.arrive $0xFFFF  }
0x1c2: {  	p0 =	sne.s32 s0, $0x0;
	_ =	strace $0x90000047  }
0x1c3: {  	s0 =	sadd.s32 @!p0 $0x100000, s1;
	[bflag:$0x2] =	sbarrier.arrive $0xFFFF  }
0x1c4: {  	[sflag:s0] =	ssyncadd.tile.s32 @!p0 $0x1;
	_ =	shalt  }
.Lfunc_end2:
_tile_overlayer_lowered:
.L_overlay_start_2:
0x1c5: {  	(tag) =	ssettag $0x2  }
0x1c6: {  	s0 =	rddreg [dreg:$0x0];
	s2 =	stileid.u32  }
0x1c7: {  	s1 =	rddreg [dreg:$0x1];
	p0 =	sne.s32 s2, $0x0  }
0x1c8: {  	s3 =	rddreg [dreg:$0x2];
	[bflag:$0x3] =	sbarrier.arrive $0xFFFF;
	s2 =	simm.s32 @!p0 $0x1C05  }
0x1c9: {  	[timem:s3], [sflag:s2] =	dma.local @!p0 [hbm:s0], s1  }
0x1ca: {  	s0 =	simm.s32 @!p0 $0x5  }
0x1cb: {  	_ =	swait.ge @!p0 [sflag:s0], s1  }
0x1cc: {  	s1 =	ssub.s32 @!p0 $0x0, s1;
	[sflag:s0] =	ssyncset.done @!p0 $0x0  }
0x1cd: {  	[sflag:s0] =	ssyncadd.s32 @!p0 s1  }
0x1ce: {  	[bflag:$0x3] =	sbarrier.arrive $0xFFFF  }
0x1cf: {  	_ =	shalt  }

</sc_bundles>
